<compile_context>
chip_gen: v7x
topology: tpu7x:2x2x1
jax: 0.10.2.dev20260603
libtpu: 0.0.44.dev20260713+nightly
codegen_flags: <defaults>
</compile_context>

<pallas_src>
import jax
import jax.numpy as jnp
from jax import lax
from jax.experimental import pallas as pl
from jax.experimental.pallas import tpu as pltpu
from jax.experimental.pallas import tpu_sc as plsc

NCHIP = 4
SEQ = 2048
HID = 2048
TOPK = 2
NEXP = 16
MAXD = 1536
MLEN = 8
P = NCHIP * SEQ * TOPK
NCORE = 2
NSUB = 16
NW = NCORE * NSUB
CHUNK = P // NW
NGRP = CHUNK // 16
OUT_ROWS = NEXP * MAXD
STAG_ROWS = OUT_ROWS + 16
STAG_W = 128
ROWS_PER_W = OUT_ROWS // NW
NWIN = ROWS_PER_W // 16

_mesh = plsc.VectorSubcoreMesh(core_axis_name="c", subcore_axis_name="s")
_cparams = pltpu.CompilerParams(needs_layout_passes=False)


def _wid():
    return lax.axis_index("c") * NSUB + lax.axis_index("s")


def _iota():
    return lax.iota(jnp.int32, 16)


def _rank_kernel(idx_hbm, hist_hbm, lrank_hbm, idx_v, lr_v, rc_v, sb_v):
    wid = _wid()
    base = wid * CHUNK
    pltpu.sync_copy(idx_hbm.at[pl.ds(base, CHUNK)], idx_v)
    zeros = jnp.zeros((16,), jnp.int32)
    rc_v[...] = zeros
    sb_v[pl.ds(0, 16)] = jnp.full((16,), -1, jnp.int32)
    sb_v[pl.ds(32, 16)] = jnp.full((16,), -2, jnp.int32)

    @pl.loop(0, NGRP)
    def _grp(g):
        v = idx_v[pl.ds(g * 16, 16)]
        sb_v[pl.ds(16, 16)] = v
        occ = jnp.zeros((16,), jnp.int32)
        later = jnp.zeros((16,), jnp.int32)
        for s in range(1, 16):
            occ = occ + (sb_v[pl.ds(16 - s, 16)] == v).astype(jnp.int32)
            later = later + (sb_v[pl.ds(16 + s, 16)] == v).astype(jnp.int32)
        run = plsc.load_gather(rc_v, [v])
        lr = run + occ
        lr_v[pl.ds(g * 16, 16)] = lr
        plsc.store_scatter(rc_v, [v], lr + 1, mask=later == 0)

    pltpu.sync_copy(lr_v, lrank_hbm.at[pl.ds(base, CHUNK)])
    pltpu.sync_copy(rc_v, hist_hbm.at[pl.ds(wid * 16, 16)])


def _route_kernel(idx_hbm, lrank_hbm, w_hbm, hist_hbm,
                  stag_hbm, cnt_hbm,
                  idx_v, lr_v, w_v, hist_v, off_v, tot_v, data_v, idxb_v):
    wid = _wid()
    base = wid * CHUNK
    pltpu.sync_copy(idx_hbm.at[pl.ds(base, CHUNK)], idx_v)
    pltpu.sync_copy(lrank_hbm.at[pl.ds(base, CHUNK)], lr_v)
    pltpu.sync_copy(w_hbm.at[pl.ds(base, CHUNK)], w_v)
    pltpu.sync_copy(hist_hbm, hist_v)
    iota = _iota()
    zeros = jnp.zeros((16,), jnp.int32)

    off_v[...] = zeros

    @pl.loop(0, NW)
    def _off(w):
        @pl.when(w < wid)
        def _():
            off_v[...] = off_v[...] + hist_v[pl.ds(w * 16, 16)]

    @pl.when(wid == 0)
    def _counters():
        tot_v[...] = zeros

        @pl.loop(0, NW)
        def _tot(w):
            tot_v[...] = tot_v[...] + hist_v[pl.ds(w * 16, 16)]

        pltpu.sync_copy(tot_v, cnt_hbm)

    @pl.loop(0, 128)
    def _z(r):
        @pl.loop(0, STAG_W // 16)
        def _zc(c):
            plsc.store_scatter(
                data_v, [jnp.full((16,), r, jnp.int32), c * 16 + iota], zeros)

    @pl.loop(0, NGRP)
    def _grp(g):
        b = lax.rem(g, 8)
        j = lax.div(g, 8)
        v = idx_v[pl.ds(g * 16, 16)]
        lr = lr_v[pl.ds(g * 16, 16)]
        wf = w_v[pl.ds(g * 16, 16)]
        offe = plsc.load_gather(off_v, [v])
        rank = lr + offe
        valid = rank < MAXD
        p_vec = base + g * 16 + iota
        out_row = jnp.where(valid, v * MAXD + rank, OUT_ROWS + iota)
        tok = lax.shift_right_logical(p_vec, 1)
        chip = lax.shift_right_logical(p_vec, 12)
        token = jnp.bitwise_and(tok, SEQ - 1)
        topk = jnp.bitwise_and(p_vec, 1)
        w_int = wf.astype(jnp.int32)
        row_idx = b * 16 + iota

        def put(col, vals):
            plsc.store_scatter(data_v, [row_idx, jnp.full((16,), col, jnp.int32)], vals)

        put(0, chip)
        put(1, token)
        put(2, topk)
        put(3, v)
        put(4, w_int)
        put(8, tok)
        plsc.store_scatter(idxb_v, [jnp.full((16,), j, jnp.int32), b * 16 + iota], out_row)

        @pl.when(b == 7)
        def _flush():
            pltpu.sync_copy(data_v, stag_hbm.at[idxb_v.at[j]])


def _dispatch_kernel(x_hbm, stag_hbm, hist_hbm,
                     disp_hbm, meta_hbm,
                     hist_v, tot_v, stag_v, tok_v, meta_v, rows_v, zero_v):
    wid = _wid()
    e = lax.div(wid, 2)
    half = lax.rem(wid, 2)
    rstart = e * MAXD + half * ROWS_PER_W
    iota = _iota()
    zeros = jnp.zeros((16,), jnp.int32)
    zf = jnp.zeros((16,), jnp.float32)

    pltpu.sync_copy(hist_hbm, hist_v)
    tot_v[...] = zeros

    @pl.loop(0, NW)
    def _tot(w):
        tot_v[...] = tot_v[...] + hist_v[pl.ds(w * 16, 16)]

    tot = tot_v[...]
    cnt = jnp.sum(jnp.where(iota == e, tot, 0))
    cnt = jnp.minimum(cnt, MAXD)
    nfill = jnp.clip(cnt - half * ROWS_PER_W, 0, ROWS_PER_W)

    @pl.loop(0, 16)
    def _zr(r):
        @pl.loop(0, HID // 16)
        def _zc(c):
            plsc.store_scatter(zero_v, [jnp.full((16,), r, jnp.int32), c * 16 + iota], zf)

    col = jnp.bitwise_and(iota, 7)
    rowp = lax.shift_right_logical(iota, 3)
    col8 = jnp.full((16,), 8, jnp.int32)

    @pl.loop(0, NWIN)
    def _win(i):
        rbase = rstart + i * 16
        nv = jnp.clip(nfill - i * 16, 0, 16)
        nv_v = jnp.full((16,), nv, jnp.int32)
        pltpu.sync_copy(stag_hbm.at[pl.ds(rbase, 16)], stag_v)
        tok_raw = plsc.load_gather(stag_v, [iota, col8])
        tok_v[...] = jnp.where(iota < nv_v, tok_raw, 0)
        for j in range(8):
            ridx = 2 * j + rowp
            mv = plsc.load_gather(stag_v, [ridx, col])
            mv = jnp.where(ridx < nv_v, mv, -1)
            plsc.store_scatter(meta_v, [ridx, col], mv)
        pltpu.sync_copy(meta_v, meta_hbm.at[pl.ds(rbase, 16)])

        @pl.when(nv > 0)
        def _gather():
            pltpu.sync_copy(x_hbm.at[tok_v], rows_v)
            pltpu.sync_copy(rows_v, disp_hbm.at[pl.ds(rbase, 16)])

            @pl.when(nv < 16)
            def _tail():
                @pl.loop(0, 16)
                def _row(r):
                    @pl.when(r >= nv)
                    def _():
                        pltpu.sync_copy(zero_v.at[0], disp_hbm.at[rbase + r])

        @pl.when(nv == 0)
        def _zero():
            pltpu.sync_copy(zero_v, disp_hbm.at[pl.ds(rbase, 16)])


def kernel(x, weights, indices):
    x_flat = x.reshape(NCHIP * SEQ, HID)
    idx_flat = indices.reshape(P).astype(jnp.int32)
    w_flat = weights.reshape(P)

    rank_call = pl.kernel(
        _rank_kernel,
        out_type=(
            jax.ShapeDtypeStruct((NW * 16,), jnp.int32),
            jax.ShapeDtypeStruct((P,), jnp.int32),
        ),
        mesh=_mesh,
        compiler_params=_cparams,
        scratch_types=[
            pltpu.VMEM((CHUNK,), jnp.int32),
            pltpu.VMEM((CHUNK,), jnp.int32),
            pltpu.VMEM((16,), jnp.int32),
            pltpu.VMEM((48,), jnp.int32),
        ],
    )
    hist, lrank = rank_call(idx_flat)

    route_call = pl.kernel(
        _route_kernel,
        out_type=(
            jax.ShapeDtypeStruct((STAG_ROWS, STAG_W), jnp.int32),
            jax.ShapeDtypeStruct((16,), jnp.int32),
        ),
        mesh=_mesh,
        compiler_params=_cparams,
        scratch_types=[
            pltpu.VMEM((CHUNK,), jnp.int32),
            pltpu.VMEM((CHUNK,), jnp.int32),
            pltpu.VMEM((CHUNK,), jnp.float32),
            pltpu.VMEM((NW * 16,), jnp.int32),
            pltpu.VMEM((16,), jnp.int32),
            pltpu.VMEM((16,), jnp.int32),
            pltpu.VMEM((128, STAG_W), jnp.int32),
            pltpu.VMEM((4, 128), jnp.int32),
        ],
    )
    staging, counters = route_call(idx_flat, lrank, w_flat, hist)

    dispatch_call = pl.kernel(
        _dispatch_kernel,
        out_type=(
            jax.ShapeDtypeStruct((OUT_ROWS, HID), jnp.float32),
            jax.ShapeDtypeStruct((OUT_ROWS, MLEN), jnp.int32),
        ),
        mesh=_mesh,
        compiler_params=_cparams,
        scratch_types=[
            pltpu.VMEM((NW * 16,), jnp.int32),
            pltpu.VMEM((16,), jnp.int32),
            pltpu.VMEM((16, STAG_W), jnp.int32),
            pltpu.VMEM((16,), jnp.int32),
            pltpu.VMEM((16, MLEN), jnp.int32),
            pltpu.VMEM((16, HID), jnp.float32),
            pltpu.VMEM((16, HID), jnp.float32),
        ],
    )
    dispatched, metadata = dispatch_call(x_flat, staging, hist)

    return (
        dispatched.reshape(NCHIP, NEXP // NCHIP, MAXD, HID),
        metadata.reshape(NCHIP, NEXP // NCHIP, MAXD, MLEN),
        counters.reshape(NCHIP, NEXP // NCHIP),
    )

# --- scband reference (transcript-rebuilt; emitter-appended) ---
"""Pipeline reference for scband-torch-dispatch-module-27779848470600 (READ-ONLY COPY).

The authoritative reference and input builder live on the scoring server;
editing this copy changes nothing except your own understanding.
"""

import jax, jax.numpy as jnp
import numpy as np

NUM_CHIPS = 4
EXPERTS_PER_CHIP = 4
N_ROUTED_EXPERTS = 16
TOP_K = 2
METADATA_LEN = 8
MAX_DISP = 1536
SEQ_LEN = 2048
HIDDEN = 2048


def setup_inputs(seed: int = 0):
    key = jax.random.key(seed)
    k1, k2, k3 = jax.random.split(key, 3)
    x = jax.random.normal(k1, (NUM_CHIPS, SEQ_LEN, HIDDEN), dtype=jnp.float32)
    weights = jax.random.uniform(k2, (NUM_CHIPS, SEQ_LEN, TOP_K), dtype=jnp.float32)
    indices = jax.random.randint(k3, (NUM_CHIPS, SEQ_LEN, TOP_K), 0, N_ROUTED_EXPERTS)
    return {"x": x, "weights": weights, "indices": indices}


def _routing(indices):
    # Flatten in the exact loop order of the torch module: chip-major, then token, then topk.
    idx_flat = indices.reshape(-1).astype(jnp.int32)
    P = idx_flat.shape[0]
    chip_ids = jnp.repeat(jnp.arange(NUM_CHIPS, dtype=jnp.int32), SEQ_LEN * TOP_K)
    token_ids = jnp.tile(jnp.repeat(jnp.arange(SEQ_LEN, dtype=jnp.int32), TOP_K), NUM_CHIPS)
    topk_ids = jnp.tile(jnp.arange(TOP_K, dtype=jnp.int32), NUM_CHIPS * SEQ_LEN)
    key_flat = chip_ids * N_ROUTED_EXPERTS + idx_flat
    # counts per (chip, routed_expert)  == chip_to_n_routed_expert_counter
    counts = jnp.zeros((NUM_CHIPS * N_ROUTED_EXPERTS,), jnp.int32).at[key_flat].add(1)
    counts = counts.reshape(NUM_CHIPS, N_ROUTED_EXPERTS)
    cum = jnp.cumsum(counts, axis=0)
    offset = jnp.concatenate([jnp.zeros((1, N_ROUTED_EXPERTS), cum.dtype), cum[:-1]], axis=0)
    experts_counter = cum[-1].reshape(NUM_CHIPS, EXPERTS_PER_CHIP).astype(jnp.int32)
    # occurrence rank of each pair within its (chip, expert) group, preserving flat order
    pos = jnp.arange(P, dtype=jnp.int32)
    order = jnp.argsort(key_flat, stable=True)
    sorted_keys = key_flat[order]
    is_start = jnp.concatenate([jnp.array([True]), sorted_keys[1:] != sorted_keys[:-1]])
    group_start = jax.lax.cummax(jnp.where(is_start, pos, 0))
    occ_sorted = (pos - group_start).astype(jnp.int32)
    occ = jnp.zeros((P,), jnp.int32).at[order].set(occ_sorted)
    dst = occ + offset[chip_ids, idx_flat].astype(jnp.int32)
    expert_chip = idx_flat // EXPERTS_PER_CHIP
    expert_in_chip = idx_flat % EXPERTS_PER_CHIP
    return chip_ids, token_ids, topk_ids, idx_flat, expert_chip, expert_in_chip, dst, experts_counter


def reference(x, weights, indices):
    chip_ids, token_ids, topk_ids, idx_flat, expert_chip, expert_in_chip, dst, experts_counter = _routing(indices)
    P = idx_flat.shape[0]
    x_rep = jnp.repeat(x.reshape(NUM_CHIPS * SEQ_LEN, HIDDEN), TOP_K, axis=0)
    dispatched = jnp.zeros((NUM_CHIPS, EXPERTS_PER_CHIP, MAX_DISP, HIDDEN), jnp.float32)
    dispatched = dispatched.at[expert_chip, expert_in_chip, dst].set(x_rep)
    w_flat = weights.reshape(-1)
    meta = jnp.stack([chip_ids.astype(jnp.float32), token_ids.astype(jnp.float32),
                      topk_ids.astype(jnp.float32), idx_flat.astype(jnp.float32), w_flat], axis=1)
    meta = jnp.concatenate([meta, jnp.zeros((P, METADATA_LEN - 5), jnp.float32)], axis=1).astype(jnp.int32)
    metadata = jnp.full((NUM_CHIPS, EXPERTS_PER_CHIP, MAX_DISP, METADATA_LEN), -1, dtype=jnp.int32)
    metadata = metadata.at[expert_chip, expert_in_chip, dst].set(meta)
    return dispatched, metadata, experts_counter

if __name__ == "__main__":
    import jax
    _d = setup_inputs()
    print(jax.jit(kernel)(*tuple(_d.values())))

</pallas_src>

<mosaic_0001>
#map = affine_map<(d0, d1) -> (0)>
#map1 = affine_map<(d0, d1) -> (0, 0)>
module attributes {stable_mosaic.version = 14 : i64} {
  func.func @_route_kernel(%arg0: i32, %arg1: i32, %arg2: memref<16384xi32, #tpu.memory_space<hbm>>, %arg3: memref<16384xi32, #tpu.memory_space<hbm>>, %arg4: memref<16384xf32, #tpu.memory_space<hbm>>, %arg5: memref<512xi32, #tpu.memory_space<hbm>>, %arg6: memref<24592x128xi32, #tpu.memory_space<hbm>>, %arg7: memref<16xi32, #tpu.memory_space<hbm>>, %arg8: memref<512xi32, #tpu.memory_space<vmem>>, %arg9: memref<512xi32, #tpu.memory_space<vmem>>, %arg10: memref<512xf32, #tpu.memory_space<vmem>>, %arg11: memref<512xi32, #tpu.memory_space<vmem>>, %arg12: memref<16xi32, #tpu.memory_space<vmem>>, %arg13: memref<16xi32, #tpu.memory_space<vmem>>, %arg14: memref<128x128xi32, #tpu.memory_space<vmem>>, %arg15: memref<4x128xi32, #tpu.memory_space<vmem>>) attributes {dimension_semantics = [#tpu.dimension_semantics<core_parallel>, #tpu.dimension_semantics<subcore_parallel>], iteration_bounds = array<i64: 2, 16>, scalar_prefetch = 0 : i64, scratch_operands = 8 : i64, tpu.core_type = #tpu.core_type<sc_vector_subcore>, window_params = [{transform_indices = #map}, {transform_indices = #map}, {transform_indices = #map}, {transform_indices = #map}, {transform_indices = #map1}, {transform_indices = #map}]} {
    %mul3A = arith.constant 16 : i32
    %mul3A_0 = arith.muli %arg0, %mul3A : i32
    %add3A = arith.addi %mul3A_0, %arg1 : i32
    %mul3A_1 = arith.constant 512 : i32
    %mul3A_2 = arith.muli %add3A, %mul3A_1 : i32
    "tpu.region"() ({
      %run_scoped3A = tpu.sem_alloc : memref<!tpu.dma_semaphore, #tpu.memory_space<semaphore_mem>>
      %dma_start3A = tpu.memref_slice %arg2[%mul3A_2] : memref<16384xi32, #tpu.memory_space<hbm>> -> memref<512xi32, #tpu.memory_space<hbm>>
      %dma_start3A_21 = tpu.memref_slice %arg2[%mul3A_2] : memref<16384xi32, #tpu.memory_space<hbm>> -> memref<512xi32, #tpu.memory_space<hbm>>
      tpu.enqueue_dma source(%dma_start3A_21 : memref<512xi32, #tpu.memory_space<hbm>>) target(%arg8 : memref<512xi32, #tpu.memory_space<vmem>>) target_semaphore(%run_scoped3A : memref<!tpu.dma_semaphore, #tpu.memory_space<semaphore_mem>>)
      %dma_wait3A = tpu.memref_slice %arg2[%mul3A_2] : memref<16384xi32, #tpu.memory_space<hbm>> -> memref<512xi32, #tpu.memory_space<hbm>>
      %dma_wait3A_22 = tpu.memref_slice %arg2[%mul3A_2] : memref<16384xi32, #tpu.memory_space<hbm>> -> memref<512xi32, #tpu.memory_space<hbm>>
      tpu.wait_dma2 semaphore(%run_scoped3A : memref<!tpu.dma_semaphore, #tpu.memory_space<semaphore_mem>>) src(%dma_wait3A_22 : memref<512xi32, #tpu.memory_space<hbm>>) dst(%arg8 : memref<512xi32, #tpu.memory_space<vmem>>)
      tpu.yield
    }) : () -> ()
    "tpu.region"() ({
      %run_scoped3A = tpu.sem_alloc : memref<!tpu.dma_semaphore, #tpu.memory_space<semaphore_mem>>
      %dma_start3A = tpu.memref_slice %arg3[%mul3A_2] : memref<16384xi32, #tpu.memory_space<hbm>> -> memref<512xi32, #tpu.memory_space<hbm>>
      %dma_start3A_21 = tpu.memref_slice %arg3[%mul3A_2] : memref<16384xi32, #tpu.memory_space<hbm>> -> memref<512xi32, #tpu.memory_space<hbm>>
      tpu.enqueue_dma source(%dma_start3A_21 : memref<512xi32, #tpu.memory_space<hbm>>) target(%arg9 : memref<512xi32, #tpu.memory_space<vmem>>) target_semaphore(%run_scoped3A : memref<!tpu.dma_semaphore, #tpu.memory_space<semaphore_mem>>)
      %dma_wait3A = tpu.memref_slice %arg3[%mul3A_2] : memref<16384xi32, #tpu.memory_space<hbm>> -> memref<512xi32, #tpu.memory_space<hbm>>
      %dma_wait3A_22 = tpu.memref_slice %arg3[%mul3A_2] : memref<16384xi32, #tpu.memory_space<hbm>> -> memref<512xi32, #tpu.memory_space<hbm>>
      tpu.wait_dma2 semaphore(%run_scoped3A : memref<!tpu.dma_semaphore, #tpu.memory_space<semaphore_mem>>) src(%dma_wait3A_22 : memref<512xi32, #tpu.memory_space<hbm>>) dst(%arg9 : memref<512xi32, #tpu.memory_space<vmem>>)
      tpu.yield
    }) : () -> ()
    "tpu.region"() ({
      %run_scoped3A = tpu.sem_alloc : memref<!tpu.dma_semaphore, #tpu.memory_space<semaphore_mem>>
      %dma_start3A = tpu.memref_slice %arg4[%mul3A_2] : memref<16384xf32, #tpu.memory_space<hbm>> -> memref<512xf32, #tpu.memory_space<hbm>>
      %dma_start3A_21 = tpu.memref_slice %arg4[%mul3A_2] : memref<16384xf32, #tpu.memory_space<hbm>> -> memref<512xf32, #tpu.memory_space<hbm>>
      tpu.enqueue_dma source(%dma_start3A_21 : memref<512xf32, #tpu.memory_space<hbm>>) target(%arg10 : memref<512xf32, #tpu.memory_space<vmem>>) target_semaphore(%run_scoped3A : memref<!tpu.dma_semaphore, #tpu.memory_space<semaphore_mem>>)
      %dma_wait3A = tpu.memref_slice %arg4[%mul3A_2] : memref<16384xf32, #tpu.memory_space<hbm>> -> memref<512xf32, #tpu.memory_space<hbm>>
      %dma_wait3A_22 = tpu.memref_slice %arg4[%mul3A_2] : memref<16384xf32, #tpu.memory_space<hbm>> -> memref<512xf32, #tpu.memory_space<hbm>>
      tpu.wait_dma2 semaphore(%run_scoped3A : memref<!tpu.dma_semaphore, #tpu.memory_space<semaphore_mem>>) src(%dma_wait3A_22 : memref<512xf32, #tpu.memory_space<hbm>>) dst(%arg10 : memref<512xf32, #tpu.memory_space<vmem>>)
      tpu.yield
    }) : () -> ()
    "tpu.region"() ({
      %run_scoped3A = tpu.sem_alloc : memref<!tpu.dma_semaphore, #tpu.memory_space<semaphore_mem>>
      tpu.enqueue_dma source(%arg5 : memref<512xi32, #tpu.memory_space<hbm>>) target(%arg11 : memref<512xi32, #tpu.memory_space<vmem>>) target_semaphore(%run_scoped3A : memref<!tpu.dma_semaphore, #tpu.memory_space<semaphore_mem>>)
      tpu.wait_dma2 semaphore(%run_scoped3A : memref<!tpu.dma_semaphore, #tpu.memory_space<semaphore_mem>>) src(%arg5 : memref<512xi32, #tpu.memory_space<hbm>>) dst(%arg11 : memref<512xi32, #tpu.memory_space<vmem>>)
      tpu.yield
    }) : () -> ()
    %iota3A = tpu.iota {dimensions = array<i32: 0>} : vector<16xi32>
    %broadcast_in_dim3A = arith.constant 0 : i32
    %broadcast_in_dim3A_3 = vector.broadcast %broadcast_in_dim3A : i32 to vector<16xi32>
    %swap3A = arith.constant 0 : index
    %swap3A_4 = tpu.vector_load %arg12[%swap3A] {strides = array<i32>} : memref<16xi32, #tpu.memory_space<vmem>>, vector<16xi32>,
    tpu.vector_store %arg12[%swap3A], %broadcast_in_dim3A_3 {strides = array<i32>} : memref<16xi32, #tpu.memory_space<vmem>>, vector<16xi32>,
    %scan3A = arith.constant 0 : i32
    %scan3A_5 = arith.constant 32 : i32
    %scan3A_6 = arith.addi %scan3A, %scan3A_5 : i32
    %scan3A_7 = arith.constant 1 : i32
    scf.for %scan3A_21 = %scan3A to %scan3A_6 step %scan3A_7  : i32 {
      %mul3A_22 = arith.constant 1 : i32
      %mul3A_23 = arith.muli %scan3A_21, %mul3A_22 : i32
      %add3A_24 = arith.constant 0 : i32
      %add3A_25 = arith.addi %add3A_24, %mul3A_23 : i32
      %lt3A = arith.cmpi slt, %add3A_25, %add3A : i32
      %convert_element_type3A_26 = arith.extui %lt3A : i1 to i32
      %cond3A_27 = arith.constant 0 : i32
      %cond3A_28 = arith.cmpi ne, %convert_element_type3A_26, %cond3A_27 : i32
      scf.if %cond3A_28 {
        %get3A = arith.constant 0 : index
        %get3A_29 = tpu.vector_load %arg12[%get3A] {strides = array<i32>} : memref<16xi32, #tpu.memory_space<vmem>>, vector<16xi32>,
        %mul3A_30 = arith.constant 16 : i32
        %mul3A_31 = arith.muli %add3A_25, %mul3A_30 : i32
        %get3A_32 = arith.index_cast %mul3A_31 : i32 to index
        %get3A_33 = tpu.vector_load %arg11[%get3A_32] {strides = array<i32>} : memref<512xi32, #tpu.memory_space<vmem>>, vector<16xi32>,
        %add3A_34 = arith.addi %get3A_29, %get3A_33 : vector<16xi32>
        %swap3A_35 = arith.constant 0 : index
        %swap3A_36 = tpu.vector_load %arg12[%swap3A_35] {strides = array<i32>} : memref<16xi32, #tpu.memory_space<vmem>>, vector<16xi32>,
        tpu.vector_store %arg12[%swap3A_35], %add3A_34 {strides = array<i32>} : memref<16xi32, #tpu.memory_space<vmem>>, vector<16xi32>,
      } else {
      }
    }
    %scan3A_8 = arith.constant 32 : i32
    %eq3A = arith.constant 0 : i32
    %eq3A_9 = arith.cmpi eq, %add3A, %eq3A : i32
    %convert_element_type3A = arith.extui %eq3A_9 : i1 to i32
    %cond3A = arith.constant 0 : i32
    %cond3A_10 = arith.cmpi ne, %convert_element_type3A, %cond3A : i32
    scf.if %cond3A_10 {
      %swap3A_21 = arith.constant 0 : index
      %swap3A_22 = tpu.vector_load %arg13[%swap3A_21] {strides = array<i32>} : memref<16xi32, #tpu.memory_space<vmem>>, vector<16xi32>,
      tpu.vector_store %arg13[%swap3A_21], %broadcast_in_dim3A_3 {strides = array<i32>} : memref<16xi32, #tpu.memory_space<vmem>>, vector<16xi32>,
      %scan3A_23 = arith.constant 0 : i32
      %scan3A_24 = arith.constant 32 : i32
      %scan3A_25 = arith.addi %scan3A_23, %scan3A_24 : i32
      %scan3A_26 = arith.constant 1 : i32
      scf.for %scan3A_28 = %scan3A_23 to %scan3A_25 step %scan3A_26  : i32 {
        %mul3A_29 = arith.constant 1 : i32
        %mul3A_30 = arith.muli %scan3A_28, %mul3A_29 : i32
        %add3A_31 = arith.constant 0 : i32
        %add3A_32 = arith.addi %add3A_31, %mul3A_30 : i32
        %get3A = arith.constant 0 : index
        %get3A_33 = tpu.vector_load %arg13[%get3A] {strides = array<i32>} : memref<16xi32, #tpu.memory_space<vmem>>, vector<16xi32>,
        %mul3A_34 = arith.constant 16 : i32
        %mul3A_35 = arith.muli %add3A_32, %mul3A_34 : i32
        %get3A_36 = arith.index_cast %mul3A_35 : i32 to index
        %get3A_37 = tpu.vector_load %arg11[%get3A_36] {strides = array<i32>} : memref<512xi32, #tpu.memory_space<vmem>>, vector<16xi32>,
        %add3A_38 = arith.addi %get3A_33, %get3A_37 : vector<16xi32>
        %swap3A_39 = arith.constant 0 : index
        %swap3A_40 = tpu.vector_load %arg13[%swap3A_39] {strides = array<i32>} : memref<16xi32, #tpu.memory_space<vmem>>, vector<16xi32>,
        tpu.vector_store %arg13[%swap3A_39], %add3A_38 {strides = array<i32>} : memref<16xi32, #tpu.memory_space<vmem>>, vector<16xi32>,
      }
      %scan3A_27 = arith.constant 32 : i32
      "tpu.region"() ({
        %run_scoped3A = tpu.sem_alloc : memref<!tpu.dma_semaphore, #tpu.memory_space<semaphore_mem>>
        tpu.enqueue_dma source(%arg13 : memref<16xi32, #tpu.memory_space<vmem>>) target(%arg7 : memref<16xi32, #tpu.memory_space<hbm>>) target_semaphore(%run_scoped3A : memref<!tpu.dma_semaphore, #tpu.memory_space<semaphore_mem>>)
        tpu.wait_dma2 semaphore(%run_scoped3A : memref<!tpu.dma_semaphore, #tpu.memory_space<semaphore_mem>>) src(%arg13 : memref<16xi32, #tpu.memory_space<vmem>>) dst(%arg7 : memref<16xi32, #tpu.memory_space<hbm>>)
        tpu.yield
      }) : () -> ()
    } else {
    }
    %scan3A_11 = arith.constant 0 : i32
    %scan3A_12 = arith.constant 128 : i32
    %scan3A_13 = arith.addi %scan3A_11, %scan3A_12 : i32
    %scan3A_14 = arith.constant 1 : i32
    scf.for %scan3A_21 = %scan3A_11 to %scan3A_13 step %scan3A_14  : i32 {
      %mul3A_22 = arith.constant 1 : i32
      %mul3A_23 = arith.muli %scan3A_21, %mul3A_22 : i32
      %add3A_24 = arith.constant 0 : i32
      %add3A_25 = arith.addi %add3A_24, %mul3A_23 : i32
      %scan3A_26 = arith.constant 0 : i32
      %scan3A_27 = arith.constant 8 : i32
      %scan3A_28 = arith.addi %scan3A_26, %scan3A_27 : i32
      %scan3A_29 = arith.constant 1 : i32
      scf.for %scan3A_31 = %scan3A_26 to %scan3A_28 step %scan3A_29  : i32 {
        %mul3A_32 = arith.constant 1 : i32
        %mul3A_33 = arith.muli %scan3A_31, %mul3A_32 : i32
        %add3A_34 = arith.constant 0 : i32
        %add3A_35 = arith.addi %add3A_34, %mul3A_33 : i32
        %broadcast_in_dim3A_36 = vector.broadcast %add3A_25 : i32 to vector<16xi32>
        %mul3A_37 = arith.constant 16 : i32
        %mul3A_38 = arith.muli %add3A_35, %mul3A_37 : i32
        %add3A_39 = vector.broadcast %mul3A_38 : i32 to vector<16xi32>
        %add3A_40 = arith.addi %add3A_39, %iota3A : vector<16xi32>
        tpu.vector_store_idx %arg14[%broadcast_in_dim3A_36, %add3A_40], %broadcast_in_dim3A_3 : memref<128x128xi32, #tpu.memory_space<vmem>>[vector<16xi32>, vector<16xi32>], vector<16xi32>,
      }
      %scan3A_30 = arith.constant 8 : i32
    }
    %scan3A_15 = arith.constant 128 : i32
    %scan3A_16 = arith.constant 0 : i32
    %scan3A_17 = arith.constant 32 : i32
    %scan3A_18 = arith.addi %scan3A_16, %scan3A_17 : i32
    %scan3A_19 = arith.constant 1 : i32
    scf.for %scan3A_21 = %scan3A_16 to %scan3A_18 step %scan3A_19  : i32 {
      %mul3A_22 = arith.constant 1 : i32
      %mul3A_23 = arith.muli %scan3A_21, %mul3A_22 : i32
      %add3A_24 = arith.constant 0 : i32
      %add3A_25 = arith.addi %add3A_24, %mul3A_23 : i32
      %rem3A = arith.constant 8 : i32
      %rem3A_26 = arith.remsi %add3A_25, %rem3A : i32
      %div3A = arith.constant 8 : i32
      %div3A_27 = arith.divsi %add3A_25, %div3A : i32
      %mul3A_28 = arith.constant 16 : i32
      %mul3A_29 = arith.muli %add3A_25, %mul3A_28 : i32
      %get3A = arith.index_cast %mul3A_29 : i32 to index
      %get3A_30 = tpu.vector_load %arg8[%get3A] {strides = array<i32>} : memref<512xi32, #tpu.memory_space<vmem>>, vector<16xi32>,
      %mul3A_31 = arith.constant 16 : i32
      %mul3A_32 = arith.muli %add3A_25, %mul3A_31 : i32
      %get3A_33 = arith.index_cast %mul3A_32 : i32 to index
      %get3A_34 = tpu.vector_load %arg9[%get3A_33] {strides = array<i32>} : memref<512xi32, #tpu.memory_space<vmem>>, vector<16xi32>,
      %mul3A_35 = arith.constant 16 : i32
      %mul3A_36 = arith.muli %add3A_25, %mul3A_35 : i32
      %get3A_37 = arith.index_cast %mul3A_36 : i32 to index
      %get3A_38 = tpu.vector_load %arg10[%get3A_37] {strides = array<i32>} : memref<512xf32, #tpu.memory_space<vmem>>, vector<16xf32>,
      %gather3A = tpu.vector_load_idx %arg12[%get3A_30] : memref<16xi32, #tpu.memory_space<vmem>>[vector<16xi32>], vector<16xi32>,
      %add3A_39 = arith.addi %get3A_34, %gather3A : vector<16xi32>
      %lt3A = arith.constant 1536 : i32
      %lt3A_40 = vector.broadcast %lt3A : i32 to vector<16xi32>
      %lt3A_41 = arith.cmpi slt, %add3A_39, %lt3A_40 : vector<16xi32>
      %mul3A_42 = arith.constant 16 : i32
      %mul3A_43 = arith.muli %add3A_25, %mul3A_42 : i32
      %add3A_44 = arith.addi %mul3A_2, %mul3A_43 : i32
      %add3A_45 = vector.broadcast %add3A_44 : i32 to vector<16xi32>
      %add3A_46 = arith.addi %add3A_45, %iota3A : vector<16xi32>
      %mul3A_47 = arith.constant 1536 : i32
      %mul3A_48 = vector.broadcast %mul3A_47 : i32 to vector<16xi32>
      %mul3A_49 = arith.muli %get3A_30, %mul3A_48 : vector<16xi32>
      %add3A_50 = arith.addi %mul3A_49, %add3A_39 : vector<16xi32>
      %add3A_51 = arith.constant 24576 : i32
      %add3A_52 = vector.broadcast %add3A_51 : i32 to vector<16xi32>
      %add3A_53 = arith.addi %add3A_52, %iota3A : vector<16xi32>
      %select_n3A = arith.select %lt3A_41, %add3A_50, %add3A_53 : vector<16xi1>, vector<16xi32>
      %shift_right_logical3A = arith.constant 1 : i32
      %shift_right_logical3A_54 = vector.broadcast %shift_right_logical3A : i32 to vector<16xi32>
      %shift_right_logical3A_55 = arith.shrui %add3A_46, %shift_right_logical3A_54 : vector<16xi32>
      %shift_right_logical3A_56 = arith.constant 12 : i32
      %shift_right_logical3A_57 = vector.broadcast %shift_right_logical3A_56 : i32 to vector<16xi32>
      %shift_right_logical3A_58 = arith.shrui %add3A_46, %shift_right_logical3A_57 : vector<16xi32>
      %and3A = arith.constant 2047 : i32
      %and3A_59 = vector.broadcast %and3A : i32 to vector<16xi32>
      %and3A_60 = arith.andi %shift_right_logical3A_55, %and3A_59 : vector<16xi32>
      %and3A_61 = arith.constant 1 : i32
      %and3A_62 = vector.broadcast %and3A_61 : i32 to vector<16xi32>
      %and3A_63 = arith.andi %add3A_46, %and3A_62 : vector<16xi32>
      %convert_element_type3A_64 = arith.fptosi %get3A_38 : vector<16xf32> to vector<16xi32>
      %mul3A_65 = arith.constant 16 : i32
      %mul3A_66 = arith.muli %rem3A_26, %mul3A_65 : i32
      %add3A_67 = vector.broadcast %mul3A_66 : i32 to vector<16xi32>
      %add3A_68 = arith.addi %add3A_67, %iota3A : vector<16xi32>
      %broadcast_in_dim3A_69 = arith.constant 0 : i32
      %broadcast_in_dim3A_70 = vector.broadcast %broadcast_in_dim3A_69 : i32 to vector<16xi32>
      tpu.vector_store_idx %arg14[%add3A_68, %broadcast_in_dim3A_70], %shift_right_logical3A_58 : memref<128x128xi32, #tpu.memory_space<vmem>>[vector<16xi32>, vector<16xi32>], vector<16xi32>,
      %broadcast_in_dim3A_71 = arith.constant 1 : i32
      %broadcast_in_dim3A_72 = vector.broadcast %broadcast_in_dim3A_71 : i32 to vector<16xi32>
      tpu.vector_store_idx %arg14[%add3A_68, %broadcast_in_dim3A_72], %and3A_60 : memref<128x128xi32, #tpu.memory_space<vmem>>[vector<16xi32>, vector<16xi32>], vector<16xi32>,
      %broadcast_in_dim3A_73 = arith.constant 2 : i32
      %broadcast_in_dim3A_74 = vector.broadcast %broadcast_in_dim3A_73 : i32 to vector<16xi32>
      tpu.vector_store_idx %arg14[%add3A_68, %broadcast_in_dim3A_74], %and3A_63 : memref<128x128xi32, #tpu.memory_space<vmem>>[vector<16xi32>, vector<16xi32>], vector<16xi32>,
      %broadcast_in_dim3A_75 = arith.constant 3 : i32
      %broadcast_in_dim3A_76 = vector.broadcast %broadcast_in_dim3A_75 : i32 to vector<16xi32>
      tpu.vector_store_idx %arg14[%add3A_68, %broadcast_in_dim3A_76], %get3A_30 : memref<128x128xi32, #tpu.memory_space<vmem>>[vector<16xi32>, vector<16xi32>], vector<16xi32>,
      %broadcast_in_dim3A_77 = arith.constant 4 : i32
      %broadcast_in_dim3A_78 = vector.broadcast %broadcast_in_dim3A_77 : i32 to vector<16xi32>
      tpu.vector_store_idx %arg14[%add3A_68, %broadcast_in_dim3A_78], %convert_element_type3A_64 : memref<128x128xi32, #tpu.memory_space<vmem>>[vector<16xi32>, vector<16xi32>], vector<16xi32>,
      %broadcast_in_dim3A_79 = arith.constant 8 : i32
      %broadcast_in_dim3A_80 = vector.broadcast %broadcast_in_dim3A_79 : i32 to vector<16xi32>
      tpu.vector_store_idx %arg14[%add3A_68, %broadcast_in_dim3A_80], %shift_right_logical3A_55 : memref<128x128xi32, #tpu.memory_space<vmem>>[vector<16xi32>, vector<16xi32>], vector<16xi32>,
      %broadcast_in_dim3A_81 = vector.broadcast %div3A_27 : i32 to vector<16xi32>
      %mul3A_82 = arith.constant 16 : i32
      %mul3A_83 = arith.muli %rem3A_26, %mul3A_82 : i32
      %add3A_84 = vector.broadcast %mul3A_83 : i32 to vector<16xi32>
      %add3A_85 = arith.addi %add3A_84, %iota3A : vector<16xi32>
      tpu.vector_store_idx %arg15[%broadcast_in_dim3A_81, %add3A_85], %select_n3A : memref<4x128xi32, #tpu.memory_space<vmem>>[vector<16xi32>, vector<16xi32>], vector<16xi32>,
      %eq3A_86 = arith.constant 7 : i32
      %eq3A_87 = arith.cmpi eq, %rem3A_26, %eq3A_86 : i32
      %convert_element_type3A_88 = arith.extui %eq3A_87 : i1 to i32
      %cond3A_89 = arith.constant 0 : i32
      %cond3A_90 = arith.cmpi ne, %convert_element_type3A_88, %cond3A_89 : i32
      scf.if %cond3A_90 {
        "tpu.region"() ({
          %run_scoped3A = tpu.sem_alloc : memref<!tpu.dma_semaphore, #tpu.memory_space<semaphore_mem>>
          %dma_start3A = arith.constant 0 : i32
          %dma_start3A_91 = tpu.memref_slice %arg15[%div3A_27, %dma_start3A] : memref<4x128xi32, #tpu.memory_space<vmem>> -> memref<1x128xi32, #tpu.memory_space<vmem>>
          %dma_start3A_92 = tpu.memref_squeeze %dma_start3A_91 : memref<1x128xi32, #tpu.memory_space<vmem>> -> memref<128xi32, #tpu.memory_space<vmem>>
          %dma_start3A_93 = arith.constant 0 : i32
          %dma_start3A_94 = arith.constant 0 : i32
          %dma_start3A_95 = tpu.memref_slice %arg6[%dma_start3A_93, %dma_start3A_94] : memref<24592x128xi32, #tpu.memory_space<hbm>> -> memref<24592x128xi32, #tpu.memory_space<hbm>>
          tpu.enqueue_indirect_dma source(%arg14 : memref<128x128xi32, #tpu.memory_space<vmem>>) target(%dma_start3A_95 : memref<24592x128xi32, #tpu.memory_space<hbm>>) offsets(%dma_start3A_92 : memref<128xi32, #tpu.memory_space<vmem>>) semaphore(%run_scoped3A : memref<!tpu.dma_semaphore, #tpu.memory_space<semaphore_mem>>)
          %dma_wait3A = arith.constant 0 : i32
          %dma_wait3A_96 = tpu.memref_slice %arg15[%div3A_27, %dma_wait3A] : memref<4x128xi32, #tpu.memory_space<vmem>> -> memref<1x128xi32, #tpu.memory_space<vmem>>
          %dma_wait3A_97 = tpu.memref_squeeze %dma_wait3A_96 : memref<1x128xi32, #tpu.memory_space<vmem>> -> memref<128xi32, #tpu.memory_space<vmem>>
          %dma_wait3A_98 = arith.constant 0 : i32
          %dma_wait3A_99 = arith.constant 0 : i32
          %dma_wait3A_100 = tpu.memref_slice %arg6[%dma_wait3A_98, %dma_wait3A_99] : memref<24592x128xi32, #tpu.memory_space<hbm>> -> memref<24592x128xi32, #tpu.memory_space<hbm>>
          tpu.wait_indirect_dma semaphore(%run_scoped3A : memref<!tpu.dma_semaphore, #tpu.memory_space<semaphore_mem>>) src(%arg14 : memref<128x128xi32, #tpu.memory_space<vmem>>) dst(%dma_wait3A_100 : memref<24592x128xi32, #tpu.memory_space<hbm>>)
          tpu.yield
        }) : () -> ()
      } else {
      }
    }
    %scan3A_20 = arith.constant 32 : i32
    return
  }
}

#map = affine_map<(d0, d1) -> (0)>
module attributes {stable_mosaic.version = 14 : i64} {
  func.func @_rank_kernel(%arg0: i32, %arg1: i32, %arg2: memref<16384xi32, #tpu.memory_space<hbm>>, %arg3: memref<512xi32, #tpu.memory_space<hbm>>, %arg4: memref<16384xi32, #tpu.memory_space<hbm>>, %arg5: memref<512xi32, #tpu.memory_space<vmem>>, %arg6: memref<512xi32, #tpu.memory_space<vmem>>, %arg7: memref<16xi32, #tpu.memory_space<vmem>>, %arg8: memref<48xi32, #tpu.memory_space<vmem>>) attributes {dimension_semantics = [#tpu.dimension_semantics<core_parallel>, #tpu.dimension_semantics<subcore_parallel>], iteration_bounds = array<i64: 2, 16>, scalar_prefetch = 0 : i64, scratch_operands = 4 : i64, tpu.core_type = #tpu.core_type<sc_vector_subcore>, window_params = [{transform_indices = #map}, {transform_indices = #map}, {transform_indices = #map}]} {
    %mul3A = arith.constant 16 : i32
    %mul3A_0 = arith.muli %arg0, %mul3A : i32
    %add3A = arith.addi %mul3A_0, %arg1 : i32
    %mul3A_1 = arith.constant 512 : i32
    %mul3A_2 = arith.muli %add3A, %mul3A_1 : i32
    "tpu.region"() ({
      %run_scoped3A = tpu.sem_alloc : memref<!tpu.dma_semaphore, #tpu.memory_space<semaphore_mem>>
      %dma_start3A = tpu.memref_slice %arg2[%mul3A_2] : memref<16384xi32, #tpu.memory_space<hbm>> -> memref<512xi32, #tpu.memory_space<hbm>>
      %dma_start3A_19 = tpu.memref_slice %arg2[%mul3A_2] : memref<16384xi32, #tpu.memory_space<hbm>> -> memref<512xi32, #tpu.memory_space<hbm>>
      tpu.enqueue_dma source(%dma_start3A_19 : memref<512xi32, #tpu.memory_space<hbm>>) target(%arg5 : memref<512xi32, #tpu.memory_space<vmem>>) target_semaphore(%run_scoped3A : memref<!tpu.dma_semaphore, #tpu.memory_space<semaphore_mem>>)
      %dma_wait3A = tpu.memref_slice %arg2[%mul3A_2] : memref<16384xi32, #tpu.memory_space<hbm>> -> memref<512xi32, #tpu.memory_space<hbm>>
      %dma_wait3A_20 = tpu.memref_slice %arg2[%mul3A_2] : memref<16384xi32, #tpu.memory_space<hbm>> -> memref<512xi32, #tpu.memory_space<hbm>>
      tpu.wait_dma2 semaphore(%run_scoped3A : memref<!tpu.dma_semaphore, #tpu.memory_space<semaphore_mem>>) src(%dma_wait3A_20 : memref<512xi32, #tpu.memory_space<hbm>>) dst(%arg5 : memref<512xi32, #tpu.memory_space<vmem>>)
      tpu.yield
    }) : () -> ()
    %broadcast_in_dim3A = arith.constant 0 : i32
    %broadcast_in_dim3A_3 = vector.broadcast %broadcast_in_dim3A : i32 to vector<16xi32>
    %swap3A = arith.constant 0 : index
    %swap3A_4 = tpu.vector_load %arg7[%swap3A] {strides = array<i32>} : memref<16xi32, #tpu.memory_space<vmem>>, vector<16xi32>,
    tpu.vector_store %arg7[%swap3A], %broadcast_in_dim3A_3 {strides = array<i32>} : memref<16xi32, #tpu.memory_space<vmem>>, vector<16xi32>,
    %broadcast_in_dim3A_5 = arith.constant -1 : i32
    %broadcast_in_dim3A_6 = vector.broadcast %broadcast_in_dim3A_5 : i32 to vector<16xi32>
    %swap3A_7 = arith.constant 0 : index
    %swap3A_8 = tpu.vector_load %arg8[%swap3A_7] {strides = array<i32>} : memref<48xi32, #tpu.memory_space<vmem>>, vector<16xi32>,
    tpu.vector_store %arg8[%swap3A_7], %broadcast_in_dim3A_6 {strides = array<i32>} : memref<48xi32, #tpu.memory_space<vmem>>, vector<16xi32>,
    %broadcast_in_dim3A_9 = arith.constant -2 : i32
    %broadcast_in_dim3A_10 = vector.broadcast %broadcast_in_dim3A_9 : i32 to vector<16xi32>
    %swap3A_11 = arith.constant 32 : index
    %swap3A_12 = tpu.vector_load %arg8[%swap3A_11] {strides = array<i32>} : memref<48xi32, #tpu.memory_space<vmem>>, vector<16xi32>,
    tpu.vector_store %arg8[%swap3A_11], %broadcast_in_dim3A_10 {strides = array<i32>} : memref<48xi32, #tpu.memory_space<vmem>>, vector<16xi32>,
    %scan3A = arith.constant 0 : i32
    %scan3A_13 = arith.constant 32 : i32
    %scan3A_14 = arith.addi %scan3A, %scan3A_13 : i32
    %scan3A_15 = arith.constant 1 : i32
    scf.for %scan3A_19 = %scan3A to %scan3A_14 step %scan3A_15  : i32 {
      %mul3A_20 = arith.constant 1 : i32
      %mul3A_21 = arith.muli %scan3A_19, %mul3A_20 : i32
      %add3A_22 = arith.constant 0 : i32
      %add3A_23 = arith.addi %add3A_22, %mul3A_21 : i32
      %mul3A_24 = arith.constant 16 : i32
      %mul3A_25 = arith.muli %add3A_23, %mul3A_24 : i32
      %get3A = arith.index_cast %mul3A_25 : i32 to index
      %get3A_26 = tpu.vector_load %arg5[%get3A] {strides = array<i32>} : memref<512xi32, #tpu.memory_space<vmem>>, vector<16xi32>,
      %swap3A_27 = arith.constant 16 : index
      %swap3A_28 = tpu.vector_load %arg8[%swap3A_27] {strides = array<i32>} : memref<48xi32, #tpu.memory_space<vmem>>, vector<16xi32>,
      tpu.vector_store %arg8[%swap3A_27], %get3A_26 {strides = array<i32>} : memref<48xi32, #tpu.memory_space<vmem>>, vector<16xi32>,
      %broadcast_in_dim3A_29 = arith.constant 0 : i32
      %broadcast_in_dim3A_30 = vector.broadcast %broadcast_in_dim3A_29 : i32 to vector<16xi32>
      %broadcast_in_dim3A_31 = arith.constant 0 : i32
      %broadcast_in_dim3A_32 = vector.broadcast %broadcast_in_dim3A_31 : i32 to vector<16xi32>
      %get3A_33 = arith.constant 15 : index
      %get3A_34 = tpu.vector_load %arg8[%get3A_33] {strides = array<i32>} : memref<48xi32, #tpu.memory_space<vmem>>, vector<16xi32>,
      %eq3A = arith.cmpi eq, %get3A_34, %get3A_26 : vector<16xi32>
      %convert_element_type3A = arith.extui %eq3A : vector<16xi1> to vector<16xi32>
      %add3A_35 = arith.addi %broadcast_in_dim3A_30, %convert_element_type3A : vector<16xi32>
      %get3A_36 = arith.constant 17 : index
      %get3A_37 = tpu.vector_load %arg8[%get3A_36] {strides = array<i32>} : memref<48xi32, #tpu.memory_space<vmem>>, vector<16xi32>,
      %eq3A_38 = arith.cmpi eq, %get3A_37, %get3A_26 : vector<16xi32>
      %convert_element_type3A_39 = arith.extui %eq3A_38 : vector<16xi1> to vector<16xi32>
      %add3A_40 = arith.addi %broadcast_in_dim3A_32, %convert_element_type3A_39 : vector<16xi32>
      %get3A_41 = arith.constant 14 : index
      %get3A_42 = tpu.vector_load %arg8[%get3A_41] {strides = array<i32>} : memref<48xi32, #tpu.memory_space<vmem>>, vector<16xi32>,
      %eq3A_43 = arith.cmpi eq, %get3A_42, %get3A_26 : vector<16xi32>
      %convert_element_type3A_44 = arith.extui %eq3A_43 : vector<16xi1> to vector<16xi32>
      %add3A_45 = arith.addi %add3A_35, %convert_element_type3A_44 : vector<16xi32>
      %get3A_46 = arith.constant 18 : index
      %get3A_47 = tpu.vector_load %arg8[%get3A_46] {strides = array<i32>} : memref<48xi32, #tpu.memory_space<vmem>>, vector<16xi32>,
      %eq3A_48 = arith.cmpi eq, %get3A_47, %get3A_26 : vector<16xi32>
      %convert_element_type3A_49 = arith.extui %eq3A_48 : vector<16xi1> to vector<16xi32>
      %add3A_50 = arith.addi %add3A_40, %convert_element_type3A_49 : vector<16xi32>
      %get3A_51 = arith.constant 13 : index
      %get3A_52 = tpu.vector_load %arg8[%get3A_51] {strides = array<i32>} : memref<48xi32, #tpu.memory_space<vmem>>, vector<16xi32>,
      %eq3A_53 = arith.cmpi eq, %get3A_52, %get3A_26 : vector<16xi32>
      %convert_element_type3A_54 = arith.extui %eq3A_53 : vector<16xi1> to vector<16xi32>
      %add3A_55 = arith.addi %add3A_45, %convert_element_type3A_54 : vector<16xi32>
      %get3A_56 = arith.constant 19 : index
      %get3A_57 = tpu.vector_load %arg8[%get3A_56] {strides = array<i32>} : memref<48xi32, #tpu.memory_space<vmem>>, vector<16xi32>,
      %eq3A_58 = arith.cmpi eq, %get3A_57, %get3A_26 : vector<16xi32>
      %convert_element_type3A_59 = arith.extui %eq3A_58 : vector<16xi1> to vector<16xi32>
      %add3A_60 = arith.addi %add3A_50, %convert_element_type3A_59 : vector<16xi32>
      %get3A_61 = arith.constant 12 : index
      %get3A_62 = tpu.vector_load %arg8[%get3A_61] {strides = array<i32>} : memref<48xi32, #tpu.memory_space<vmem>>, vector<16xi32>,
      %eq3A_63 = arith.cmpi eq, %get3A_62, %get3A_26 : vector<16xi32>
      %convert_element_type3A_64 = arith.extui %eq3A_63 : vector<16xi1> to vector<16xi32>
      %add3A_65 = arith.addi %add3A_55, %convert_element_type3A_64 : vector<16xi32>
      %get3A_66 = arith.constant 20 : index
      %get3A_67 = tpu.vector_load %arg8[%get3A_66] {strides = array<i32>} : memref<48xi32, #tpu.memory_space<vmem>>, vector<16xi32>,
      %eq3A_68 = arith.cmpi eq, %get3A_67, %get3A_26 : vector<16xi32>
      %convert_element_type3A_69 = arith.extui %eq3A_68 : vector<16xi1> to vector<16xi32>
      %add3A_70 = arith.addi %add3A_60, %convert_element_type3A_69 : vector<16xi32>
      %get3A_71 = arith.constant 11 : index
      %get3A_72 = tpu.vector_load %arg8[%get3A_71] {strides = array<i32>} : memref<48xi32, #tpu.memory_space<vmem>>, vector<16xi32>,
      %eq3A_73 = arith.cmpi eq, %get3A_72, %get3A_26 : vector<16xi32>
      %convert_element_type3A_74 = arith.extui %eq3A_73 : vector<16xi1> to vector<16xi32>
      %add3A_75 = arith.addi %add3A_65, %convert_element_type3A_74 : vector<16xi32>
      %get3A_76 = arith.constant 21 : index
      %get3A_77 = tpu.vector_load %arg8[%get3A_76] {strides = array<i32>} : memref<48xi32, #tpu.memory_space<vmem>>, vector<16xi32>,
      %eq3A_78 = arith.cmpi eq, %get3A_77, %get3A_26 : vector<16xi32>
      %convert_element_type3A_79 = arith.extui %eq3A_78 : vector<16xi1> to vector<16xi32>
      %add3A_80 = arith.addi %add3A_70, %convert_element_type3A_79 : vector<16xi32>
      %get3A_81 = arith.constant 10 : index
      %get3A_82 = tpu.vector_load %arg8[%get3A_81] {strides = array<i32>} : memref<48xi32, #tpu.memory_space<vmem>>, vector<16xi32>,
      %eq3A_83 = arith.cmpi eq, %get3A_82, %get3A_26 : vector<16xi32>
      %convert_element_type3A_84 = arith.extui %eq3A_83 : vector<16xi1> to vector<16xi32>
      %add3A_85 = arith.addi %add3A_75, %convert_element_type3A_84 : vector<16xi32>
      %get3A_86 = arith.constant 22 : index
      %get3A_87 = tpu.vector_load %arg8[%get3A_86] {strides = array<i32>} : memref<48xi32, #tpu.memory_space<vmem>>, vector<16xi32>,
      %eq3A_88 = arith.cmpi eq, %get3A_87, %get3A_26 : vector<16xi32>
      %convert_element_type3A_89 = arith.extui %eq3A_88 : vector<16xi1> to vector<16xi32>
      %add3A_90 = arith.addi %add3A_80, %convert_element_type3A_89 : vector<16xi32>
      %get3A_91 = arith.constant 9 : index
      %get3A_92 = tpu.vector_load %arg8[%get3A_91] {strides = array<i32>} : memref<48xi32, #tpu.memory_space<vmem>>, vector<16xi32>,
      %eq3A_93 = arith.cmpi eq, %get3A_92, %get3A_26 : vector<16xi32>
      %convert_element_type3A_94 = arith.extui %eq3A_93 : vector<16xi1> to vector<16xi32>
      %add3A_95 = arith.addi %add3A_85, %convert_element_type3A_94 : vector<16xi32>
      %get3A_96 = arith.constant 23 : index
      %get3A_97 = tpu.vector_load %arg8[%get3A_96] {strides = array<i32>} : memref<48xi32, #tpu.memory_space<vmem>>, vector<16xi32>,
      %eq3A_98 = arith.cmpi eq, %get3A_97, %get3A_26 : vector<16xi32>
      %convert_element_type3A_99 = arith.extui %eq3A_98 : vector<16xi1> to vector<16xi32>
      %add3A_100 = arith.addi %add3A_90, %convert_element_type3A_99 : vector<16xi32>
      %get3A_101 = arith.constant 8 : index
      %get3A_102 = tpu.vector_load %arg8[%get3A_101] {strides = array<i32>} : memref<48xi32, #tpu.memory_space<vmem>>, vector<16xi32>,
      %eq3A_103 = arith.cmpi eq, %get3A_102, %get3A_26 : vector<16xi32>
      %convert_element_type3A_104 = arith.extui %eq3A_103 : vector<16xi1> to vector<16xi32>
      %add3A_105 = arith.addi %add3A_95, %convert_element_type3A_104 : vector<16xi32>
      %get3A_106 = arith.constant 24 : index
      %get3A_107 = tpu.vector_load %arg8[%get3A_106] {strides = array<i32>} : memref<48xi32, #tpu.memory_space<vmem>>, vector<16xi32>,
      %eq3A_108 = arith.cmpi eq, %get3A_107, %get3A_26 : vector<16xi32>
      %convert_element_type3A_109 = arith.extui %eq3A_108 : vector<16xi1> to vector<16xi32>
      %add3A_110 = arith.addi %add3A_100, %convert_element_type3A_109 : vector<16xi32>
      %get3A_111 = arith.constant 7 : index
      %get3A_112 = tpu.vector_load %arg8[%get3A_111] {strides = array<i32>} : memref<48xi32, #tpu.memory_space<vmem>>, vector<16xi32>,
      %eq3A_113 = arith.cmpi eq, %get3A_112, %get3A_26 : vector<16xi32>
      %convert_element_type3A_114 = arith.extui %eq3A_113 : vector<16xi1> to vector<16xi32>
      %add3A_115 = arith.addi %add3A_105, %convert_element_type3A_114 : vector<16xi32>
      %get3A_116 = arith.constant 25 : index
      %get3A_117 = tpu.vector_load %arg8[%get3A_116] {strides = array<i32>} : memref<48xi32, #tpu.memory_space<vmem>>, vector<16xi32>,
      %eq3A_118 = arith.cmpi eq, %get3A_117, %get3A_26 : vector<16xi32>
      %convert_element_type3A_119 = arith.extui %eq3A_118 : vector<16xi1> to vector<16xi32>
      %add3A_120 = arith.addi %add3A_110, %convert_element_type3A_119 : vector<16xi32>
      %get3A_121 = arith.constant 6 : index
      %get3A_122 = tpu.vector_load %arg8[%get3A_121] {strides = array<i32>} : memref<48xi32, #tpu.memory_space<vmem>>, vector<16xi32>,
      %eq3A_123 = arith.cmpi eq, %get3A_122, %get3A_26 : vector<16xi32>
      %convert_element_type3A_124 = arith.extui %eq3A_123 : vector<16xi1> to vector<16xi32>
      %add3A_125 = arith.addi %add3A_115, %convert_element_type3A_124 : vector<16xi32>
      %get3A_126 = arith.constant 26 : index
      %get3A_127 = tpu.vector_load %arg8[%get3A_126] {strides = array<i32>} : memref<48xi32, #tpu.memory_space<vmem>>, vector<16xi32>,
      %eq3A_128 = arith.cmpi eq, %get3A_127, %get3A_26 : vector<16xi32>
      %convert_element_type3A_129 = arith.extui %eq3A_128 : vector<16xi1> to vector<16xi32>
      %add3A_130 = arith.addi %add3A_120, %convert_element_type3A_129 : vector<16xi32>
      %get3A_131 = arith.constant 5 : index
      %get3A_132 = tpu.vector_load %arg8[%get3A_131] {strides = array<i32>} : memref<48xi32, #tpu.memory_space<vmem>>, vector<16xi32>,
      %eq3A_133 = arith.cmpi eq, %get3A_132, %get3A_26 : vector<16xi32>
      %convert_element_type3A_134 = arith.extui %eq3A_133 : vector<16xi1> to vector<16xi32>
      %add3A_135 = arith.addi %add3A_125, %convert_element_type3A_134 : vector<16xi32>
      %get3A_136 = arith.constant 27 : index
      %get3A_137 = tpu.vector_load %arg8[%get3A_136] {strides = array<i32>} : memref<48xi32, #tpu.memory_space<vmem>>, vector<16xi32>,
      %eq3A_138 = arith.cmpi eq, %get3A_137, %get3A_26 : vector<16xi32>
      %convert_element_type3A_139 = arith.extui %eq3A_138 : vector<16xi1> to vector<16xi32>
      %add3A_140 = arith.addi %add3A_130, %convert_element_type3A_139 : vector<16xi32>
      %get3A_141 = arith.constant 4 : index
      %get3A_142 = tpu.vector_load %arg8[%get3A_141] {strides = array<i32>} : memref<48xi32, #tpu.memory_space<vmem>>, vector<16xi32>,
      %eq3A_143 = arith.cmpi eq, %get3A_142, %get3A_26 : vector<16xi32>
      %convert_element_type3A_144 = arith.extui %eq3A_143 : vector<16xi1> to vector<16xi32>
      %add3A_145 = arith.addi %add3A_135, %convert_element_type3A_144 : vector<16xi32>
      %get3A_146 = arith.constant 28 : index
      %get3A_147 = tpu.vector_load %arg8[%get3A_146] {strides = array<i32>} : memref<48xi32, #tpu.memory_space<vmem>>, vector<16xi32>,
      %eq3A_148 = arith.cmpi eq, %get3A_147, %get3A_26 : vector<16xi32>
      %convert_element_type3A_149 = arith.extui %eq3A_148 : vector<16xi1> to vector<16xi32>
      %add3A_150 = arith.addi %add3A_140, %convert_element_type3A_149 : vector<16xi32>
      %get3A_151 = arith.constant 3 : index
      %get3A_152 = tpu.vector_load %arg8[%get3A_151] {strides = array<i32>} : memref<48xi32, #tpu.memory_space<vmem>>, vector<16xi32>,
      %eq3A_153 = arith.cmpi eq, %get3A_152, %get3A_26 : vector<16xi32>
      %convert_element_type3A_154 = arith.extui %eq3A_153 : vector<16xi1> to vector<16xi32>
      %add3A_155 = arith.addi %add3A_145, %convert_element_type3A_154 : vector<16xi32>
      %get3A_156 = arith.constant 29 : index
      %get3A_157 = tpu.vector_load %arg8[%get3A_156] {strides = array<i32>} : memref<48xi32, #tpu.memory_space<vmem>>, vector<16xi32>,
      %eq3A_158 = arith.cmpi eq, %get3A_157, %get3A_26 : vector<16xi32>
      %convert_element_type3A_159 = arith.extui %eq3A_158 : vector<16xi1> to vector<16xi32>
      %add3A_160 = arith.addi %add3A_150, %convert_element_type3A_159 : vector<16xi32>
      %get3A_161 = arith.constant 2 : index
      %get3A_162 = tpu.vector_load %arg8[%get3A_161] {strides = array<i32>} : memref<48xi32, #tpu.memory_space<vmem>>, vector<16xi32>,
      %eq3A_163 = arith.cmpi eq, %get3A_162, %get3A_26 : vector<16xi32>
      %convert_element_type3A_164 = arith.extui %eq3A_163 : vector<16xi1> to vector<16xi32>
      %add3A_165 = arith.addi %add3A_155, %convert_element_type3A_164 : vector<16xi32>
      %get3A_166 = arith.constant 30 : index
      %get3A_167 = tpu.vector_load %arg8[%get3A_166] {strides = array<i32>} : memref<48xi32, #tpu.memory_space<vmem>>, vector<16xi32>,
      %eq3A_168 = arith.cmpi eq, %get3A_167, %get3A_26 : vector<16xi32>
      %convert_element_type3A_169 = arith.extui %eq3A_168 : vector<16xi1> to vector<16xi32>
      %add3A_170 = arith.addi %add3A_160, %convert_element_type3A_169 : vector<16xi32>
      %get3A_171 = arith.constant 1 : index
      %get3A_172 = tpu.vector_load %arg8[%get3A_171] {strides = array<i32>} : memref<48xi32, #tpu.memory_space<vmem>>, vector<16xi32>,
      %eq3A_173 = arith.cmpi eq, %get3A_172, %get3A_26 : vector<16xi32>
      %convert_element_type3A_174 = arith.extui %eq3A_173 : vector<16xi1> to vector<16xi32>
      %add3A_175 = arith.addi %add3A_165, %convert_element_type3A_174 : vector<16xi32>
      %get3A_176 = arith.constant 31 : index
      %get3A_177 = tpu.vector_load %arg8[%get3A_176] {strides = array<i32>} : memref<48xi32, #tpu.memory_space<vmem>>, vector<16xi32>,
      %eq3A_178 = arith.cmpi eq, %get3A_177, %get3A_26 : vector<16xi32>
      %convert_element_type3A_179 = arith.extui %eq3A_178 : vector<16xi1> to vector<16xi32>
      %add3A_180 = arith.addi %add3A_170, %convert_element_type3A_179 : vector<16xi32>
      %gather3A = tpu.vector_load_idx %arg7[%get3A_26] : memref<16xi32, #tpu.memory_space<vmem>>[vector<16xi32>], vector<16xi32>,
      %add3A_181 = arith.addi %gather3A, %add3A_175 : vector<16xi32>
      %mul3A_182 = arith.constant 16 : i32
      %mul3A_183 = arith.muli %add3A_23, %mul3A_182 : i32
      %swap3A_184 = arith.index_cast %mul3A_183 : i32 to index
      %swap3A_185 = tpu.vector_load %arg6[%swap3A_184] {strides = array<i32>} : memref<512xi32, #tpu.memory_space<vmem>>, vector<16xi32>,
      tpu.vector_store %arg6[%swap3A_184], %add3A_181 {strides = array<i32>} : memref<512xi32, #tpu.memory_space<vmem>>, vector<16xi32>,
      %add3A_186 = arith.constant 1 : i32
      %add3A_187 = vector.broadcast %add3A_186 : i32 to vector<16xi32>
      %add3A_188 = arith.addi %add3A_181, %add3A_187 : vector<16xi32>
      %eq3A_189 = arith.constant 0 : i32
      %eq3A_190 = vector.broadcast %eq3A_189 : i32 to vector<16xi32>
      %eq3A_191 = arith.cmpi eq, %add3A_180, %eq3A_190 : vector<16xi32>
      tpu.vector_store_idx %arg7[%get3A_26], %add3A_188 masked %eq3A_191 : memref<16xi32, #tpu.memory_space<vmem>>[vector<16xi32>], vector<16xi32>, vector<16xi1>
    }
    %scan3A_16 = arith.constant 32 : i32
    "tpu.region"() ({
      %run_scoped3A = tpu.sem_alloc : memref<!tpu.dma_semaphore, #tpu.memory_space<semaphore_mem>>
      %dma_start3A = tpu.memref_slice %arg4[%mul3A_2] : memref<16384xi32, #tpu.memory_space<hbm>> -> memref<512xi32, #tpu.memory_space<hbm>>
      %dma_start3A_19 = tpu.memref_slice %arg4[%mul3A_2] : memref<16384xi32, #tpu.memory_space<hbm>> -> memref<512xi32, #tpu.memory_space<hbm>>
      tpu.enqueue_dma source(%arg6 : memref<512xi32, #tpu.memory_space<vmem>>) target(%dma_start3A_19 : memref<512xi32, #tpu.memory_space<hbm>>) target_semaphore(%run_scoped3A : memref<!tpu.dma_semaphore, #tpu.memory_space<semaphore_mem>>)
      %dma_wait3A = tpu.memref_slice %arg4[%mul3A_2] : memref<16384xi32, #tpu.memory_space<hbm>> -> memref<512xi32, #tpu.memory_space<hbm>>
      %dma_wait3A_20 = tpu.memref_slice %arg4[%mul3A_2] : memref<16384xi32, #tpu.memory_space<hbm>> -> memref<512xi32, #tpu.memory_space<hbm>>
      tpu.wait_dma2 semaphore(%run_scoped3A : memref<!tpu.dma_semaphore, #tpu.memory_space<semaphore_mem>>) src(%arg6 : memref<512xi32, #tpu.memory_space<vmem>>) dst(%dma_wait3A_20 : memref<512xi32, #tpu.memory_space<hbm>>)
      tpu.yield
    }) : () -> ()
    %mul3A_17 = arith.constant 16 : i32
    %mul3A_18 = arith.muli %add3A, %mul3A_17 : i32
    "tpu.region"() ({
      %run_scoped3A = tpu.sem_alloc : memref<!tpu.dma_semaphore, #tpu.memory_space<semaphore_mem>>
      %dma_start3A = tpu.memref_slice %arg3[%mul3A_18] : memref<512xi32, #tpu.memory_space<hbm>> -> memref<16xi32, #tpu.memory_space<hbm>>
      %dma_start3A_19 = tpu.memref_slice %arg3[%mul3A_18] : memref<512xi32, #tpu.memory_space<hbm>> -> memref<16xi32, #tpu.memory_space<hbm>>
      tpu.enqueue_dma source(%arg7 : memref<16xi32, #tpu.memory_space<vmem>>) target(%dma_start3A_19 : memref<16xi32, #tpu.memory_space<hbm>>) target_semaphore(%run_scoped3A : memref<!tpu.dma_semaphore, #tpu.memory_space<semaphore_mem>>)
      %dma_wait3A = tpu.memref_slice %arg3[%mul3A_18] : memref<512xi32, #tpu.memory_space<hbm>> -> memref<16xi32, #tpu.memory_space<hbm>>
      %dma_wait3A_20 = tpu.memref_slice %arg3[%mul3A_18] : memref<512xi32, #tpu.memory_space<hbm>> -> memref<16xi32, #tpu.memory_space<hbm>>
      tpu.wait_dma2 semaphore(%run_scoped3A : memref<!tpu.dma_semaphore, #tpu.memory_space<semaphore_mem>>) src(%arg7 : memref<16xi32, #tpu.memory_space<vmem>>) dst(%dma_wait3A_20 : memref<16xi32, #tpu.memory_space<hbm>>)
      tpu.yield
    }) : () -> ()
    return
  }
}

#map = affine_map<(d0, d1) -> (0, 0)>
#map1 = affine_map<(d0, d1) -> (0)>
module attributes {stable_mosaic.version = 14 : i64} {
  func.func @_dispatch_kernel(%arg0: i32, %arg1: i32, %arg2: memref<8192x2048xf32, #tpu.memory_space<hbm>>, %arg3: memref<24592x128xi32, #tpu.memory_space<hbm>>, %arg4: memref<512xi32, #tpu.memory_space<hbm>>, %arg5: memref<24576x2048xf32, #tpu.memory_space<hbm>>, %arg6: memref<24576x8xi32, #tpu.memory_space<hbm>>, %arg7: memref<512xi32, #tpu.memory_space<vmem>>, %arg8: memref<16xi32, #tpu.memory_space<vmem>>, %arg9: memref<16x128xi32, #tpu.memory_space<vmem>>, %arg10: memref<16xi32, #tpu.memory_space<vmem>>, %arg11: memref<16x8xi32, #tpu.memory_space<vmem>>, %arg12: memref<16x2048xf32, #tpu.memory_space<vmem>>, %arg13: memref<16x2048xf32, #tpu.memory_space<vmem>>) attributes {dimension_semantics = [#tpu.dimension_semantics<core_parallel>, #tpu.dimension_semantics<subcore_parallel>], iteration_bounds = array<i64: 2, 16>, scalar_prefetch = 0 : i64, scratch_operands = 7 : i64, tpu.core_type = #tpu.core_type<sc_vector_subcore>, window_params = [{transform_indices = #map}, {transform_indices = #map}, {transform_indices = #map1}, {transform_indices = #map}, {transform_indices = #map}]} {
    %mul3A = arith.constant 16 : i32
    %mul3A_0 = arith.muli %arg0, %mul3A : i32
    %add3A = arith.addi %mul3A_0, %arg1 : i32
    %div3A = arith.constant 2 : i32
    %div3A_1 = arith.divsi %add3A, %div3A : i32
    %rem3A = arith.constant 2 : i32
    %rem3A_2 = arith.remsi %add3A, %rem3A : i32
    %mul3A_3 = arith.constant 1536 : i32
    %mul3A_4 = arith.muli %div3A_1, %mul3A_3 : i32
    %mul3A_5 = arith.constant 768 : i32
    %mul3A_6 = arith.muli %rem3A_2, %mul3A_5 : i32
    %add3A_7 = arith.addi %mul3A_4, %mul3A_6 : i32
    %iota3A = tpu.iota {dimensions = array<i32: 0>} : vector<16xi32>
    %broadcast_in_dim3A = arith.constant 0 : i32
    %broadcast_in_dim3A_8 = vector.broadcast %broadcast_in_dim3A : i32 to vector<16xi32>
    %broadcast_in_dim3A_9 = arith.constant 0.000000e+00 : f32
    %broadcast_in_dim3A_10 = vector.broadcast %broadcast_in_dim3A_9 : f32 to vector<16xf32>
    "tpu.region"() ({
      %run_scoped3A = tpu.sem_alloc : memref<!tpu.dma_semaphore, #tpu.memory_space<semaphore_mem>>
      tpu.enqueue_dma source(%arg4 : memref<512xi32, #tpu.memory_space<hbm>>) target(%arg7 : memref<512xi32, #tpu.memory_space<vmem>>) target_semaphore(%run_scoped3A : memref<!tpu.dma_semaphore, #tpu.memory_space<semaphore_mem>>)
      tpu.wait_dma2 semaphore(%run_scoped3A : memref<!tpu.dma_semaphore, #tpu.memory_space<semaphore_mem>>) src(%arg4 : memref<512xi32, #tpu.memory_space<hbm>>) dst(%arg7 : memref<512xi32, #tpu.memory_space<vmem>>)
      tpu.yield
    }) : () -> ()
    %swap3A = arith.constant 0 : index
    %swap3A_11 = tpu.vector_load %arg8[%swap3A] {strides = array<i32>} : memref<16xi32, #tpu.memory_space<vmem>>, vector<16xi32>,
    tpu.vector_store %arg8[%swap3A], %broadcast_in_dim3A_8 {strides = array<i32>} : memref<16xi32, #tpu.memory_space<vmem>>, vector<16xi32>,
    %scan3A = arith.constant 0 : i32
    %scan3A_12 = arith.constant 32 : i32
    %scan3A_13 = arith.addi %scan3A, %scan3A_12 : i32
    %scan3A_14 = arith.constant 1 : i32
    scf.for %scan3A_44 = %scan3A to %scan3A_13 step %scan3A_14  : i32 {
      %mul3A_45 = arith.constant 1 : i32
      %mul3A_46 = arith.muli %scan3A_44, %mul3A_45 : i32
      %add3A_47 = arith.constant 0 : i32
      %add3A_48 = arith.addi %add3A_47, %mul3A_46 : i32
      %get3A_49 = arith.constant 0 : index
      %get3A_50 = tpu.vector_load %arg8[%get3A_49] {strides = array<i32>} : memref<16xi32, #tpu.memory_space<vmem>>, vector<16xi32>,
      %mul3A_51 = arith.constant 16 : i32
      %mul3A_52 = arith.muli %add3A_48, %mul3A_51 : i32
      %get3A_53 = arith.index_cast %mul3A_52 : i32 to index
      %get3A_54 = tpu.vector_load %arg7[%get3A_53] {strides = array<i32>} : memref<512xi32, #tpu.memory_space<vmem>>, vector<16xi32>,
      %add3A_55 = arith.addi %get3A_50, %get3A_54 : vector<16xi32>
      %swap3A_56 = arith.constant 0 : index
      %swap3A_57 = tpu.vector_load %arg8[%swap3A_56] {strides = array<i32>} : memref<16xi32, #tpu.memory_space<vmem>>, vector<16xi32>,
      tpu.vector_store %arg8[%swap3A_56], %add3A_55 {strides = array<i32>} : memref<16xi32, #tpu.memory_space<vmem>>, vector<16xi32>,
    }
    %scan3A_15 = arith.constant 32 : i32
    %get3A = arith.constant 0 : index
    %get3A_16 = tpu.vector_load %arg8[%get3A] {strides = array<i32>} : memref<16xi32, #tpu.memory_space<vmem>>, vector<16xi32>,
    %eq3A = vector.broadcast %div3A_1 : i32 to vector<16xi32>
    %eq3A_17 = arith.cmpi eq, %iota3A, %eq3A : vector<16xi32>
    %jit3A = arith.constant 0 : i32
    %broadcast_in_dim3A_18 = vector.broadcast %jit3A : i32 to vector<16xi32>
    %select_n3A = arith.select %eq3A_17, %get3A_16, %broadcast_in_dim3A_18 : vector<16xi1>, vector<16xi32>
    %reduce_sum3A = arith.constant true
    %reduce_sum3A_19 = vector.broadcast %reduce_sum3A : i1 to vector<16xi1>
    %reduce_sum3A_20 = tpu.scan <sum>, %select_n3A masked %reduce_sum3A_19 : vector<16xi32>, vector<16xi1> -> vector<16xi32>
    %reduce_sum3A_21 = vector.extract %reduce_sum3A_20[15] : i32 from vector<16xi32>
    %min3A = arith.constant 1536 : i32
    %min3A_22 = arith.minsi %reduce_sum3A_21, %min3A : i32
    %mul3A_23 = arith.constant 768 : i32
    %mul3A_24 = arith.muli %rem3A_2, %mul3A_23 : i32
    %sub3A = arith.subi %min3A_22, %mul3A_24 : i32
    %jit3A_25 = arith.constant 0 : i32
    %jit3A_26 = arith.constant 768 : i32
    %max3A = arith.maxsi %jit3A_25, %sub3A : i32
    %min3A_27 = arith.minsi %jit3A_26, %max3A : i32
    %scan3A_28 = arith.constant 0 : i32
    %scan3A_29 = arith.constant 16 : i32
    %scan3A_30 = arith.addi %scan3A_28, %scan3A_29 : i32
    %scan3A_31 = arith.constant 1 : i32
    scf.for %scan3A_44 = %scan3A_28 to %scan3A_30 step %scan3A_31  : i32 {
      %mul3A_45 = arith.constant 1 : i32
      %mul3A_46 = arith.muli %scan3A_44, %mul3A_45 : i32
      %add3A_47 = arith.constant 0 : i32
      %add3A_48 = arith.addi %add3A_47, %mul3A_46 : i32
      %scan3A_49 = arith.constant 0 : i32
      %scan3A_50 = arith.constant 128 : i32
      %scan3A_51 = arith.addi %scan3A_49, %scan3A_50 : i32
      %scan3A_52 = arith.constant 1 : i32
      scf.for %scan3A_54 = %scan3A_49 to %scan3A_51 step %scan3A_52  : i32 {
        %mul3A_55 = arith.constant 1 : i32
        %mul3A_56 = arith.muli %scan3A_54, %mul3A_55 : i32
        %add3A_57 = arith.constant 0 : i32
        %add3A_58 = arith.addi %add3A_57, %mul3A_56 : i32
        %broadcast_in_dim3A_59 = vector.broadcast %add3A_48 : i32 to vector<16xi32>
        %mul3A_60 = arith.constant 16 : i32
        %mul3A_61 = arith.muli %add3A_58, %mul3A_60 : i32
        %add3A_62 = vector.broadcast %mul3A_61 : i32 to vector<16xi32>
        %add3A_63 = arith.addi %add3A_62, %iota3A : vector<16xi32>
        tpu.vector_store_idx %arg13[%broadcast_in_dim3A_59, %add3A_63], %broadcast_in_dim3A_10 : memref<16x2048xf32, #tpu.memory_space<vmem>>[vector<16xi32>, vector<16xi32>], vector<16xf32>,
      }
      %scan3A_53 = arith.constant 128 : i32
    }
    %scan3A_32 = arith.constant 16 : i32
    %and3A = arith.constant 7 : i32
    %and3A_33 = vector.broadcast %and3A : i32 to vector<16xi32>
    %and3A_34 = arith.andi %iota3A, %and3A_33 : vector<16xi32>
    %shift_right_logical3A = arith.constant 3 : i32
    %shift_right_logical3A_35 = vector.broadcast %shift_right_logical3A : i32 to vector<16xi32>
    %shift_right_logical3A_36 = arith.shrui %iota3A, %shift_right_logical3A_35 : vector<16xi32>
    %broadcast_in_dim3A_37 = arith.constant 8 : i32
    %broadcast_in_dim3A_38 = vector.broadcast %broadcast_in_dim3A_37 : i32 to vector<16xi32>
    %scan3A_39 = arith.constant 0 : i32
    %scan3A_40 = arith.constant 48 : i32
    %scan3A_41 = arith.addi %scan3A_39, %scan3A_40 : i32
    %scan3A_42 = arith.constant 1 : i32
    scf.for %scan3A_44 = %scan3A_39 to %scan3A_41 step %scan3A_42  : i32 {
      %mul3A_45 = arith.constant 1 : i32
      %mul3A_46 = arith.muli %scan3A_44, %mul3A_45 : i32
      %add3A_47 = arith.constant 0 : i32
      %add3A_48 = arith.addi %add3A_47, %mul3A_46 : i32
      %mul3A_49 = arith.constant 16 : i32
      %mul3A_50 = arith.muli %add3A_48, %mul3A_49 : i32
      %add3A_51 = arith.addi %add3A_7, %mul3A_50 : i32
      %mul3A_52 = arith.constant 16 : i32
      %mul3A_53 = arith.muli %add3A_48, %mul3A_52 : i32
      %sub3A_54 = arith.subi %min3A_27, %mul3A_53 : i32
      %jit3A_55 = arith.constant 0 : i32
      %jit3A_56 = arith.constant 16 : i32
      %max3A_57 = arith.maxsi %jit3A_55, %sub3A_54 : i32
      %min3A_58 = arith.minsi %jit3A_56, %max3A_57 : i32
      %broadcast_in_dim3A_59 = vector.broadcast %min3A_58 : i32 to vector<16xi32>
      "tpu.region"() ({
        %run_scoped3A = tpu.sem_alloc : memref<!tpu.dma_semaphore, #tpu.memory_space<semaphore_mem>>
        %dma_start3A = arith.constant 0 : i32
        %dma_start3A_136 = tpu.memref_slice %arg3[%add3A_51, %dma_start3A] : memref<24592x128xi32, #tpu.memory_space<hbm>> -> memref<16x128xi32, #tpu.memory_space<hbm>>
        %dma_start3A_137 = arith.constant 0 : i32
        %dma_start3A_138 = tpu.memref_slice %arg3[%add3A_51, %dma_start3A_137] : memref<24592x128xi32, #tpu.memory_space<hbm>> -> memref<16x128xi32, #tpu.memory_space<hbm>>
        tpu.enqueue_dma source(%dma_start3A_138 : memref<16x128xi32, #tpu.memory_space<hbm>>) target(%arg9 : memref<16x128xi32, #tpu.memory_space<vmem>>) target_semaphore(%run_scoped3A : memref<!tpu.dma_semaphore, #tpu.memory_space<semaphore_mem>>)
        %dma_wait3A = arith.constant 0 : i32
        %dma_wait3A_139 = tpu.memref_slice %arg3[%add3A_51, %dma_wait3A] : memref<24592x128xi32, #tpu.memory_space<hbm>> -> memref<16x128xi32, #tpu.memory_space<hbm>>
        %dma_wait3A_140 = arith.constant 0 : i32
        %dma_wait3A_141 = tpu.memref_slice %arg3[%add3A_51, %dma_wait3A_140] : memref<24592x128xi32, #tpu.memory_space<hbm>> -> memref<16x128xi32, #tpu.memory_space<hbm>>
        tpu.wait_dma2 semaphore(%run_scoped3A : memref<!tpu.dma_semaphore, #tpu.memory_space<semaphore_mem>>) src(%dma_wait3A_141 : memref<16x128xi32, #tpu.memory_space<hbm>>) dst(%arg9 : memref<16x128xi32, #tpu.memory_space<vmem>>)
        tpu.yield
      }) : () -> ()
      %gather3A = tpu.vector_load_idx %arg9[%iota3A, %broadcast_in_dim3A_38] : memref<16x128xi32, #tpu.memory_space<vmem>>[vector<16xi32>, vector<16xi32>], vector<16xi32>,
      %lt3A = arith.cmpi slt, %iota3A, %broadcast_in_dim3A_59 : vector<16xi32>
      %jit3A_60 = arith.constant 0 : i32
      %broadcast_in_dim3A_61 = vector.broadcast %jit3A_60 : i32 to vector<16xi32>
      %select_n3A_62 = arith.select %lt3A, %gather3A, %broadcast_in_dim3A_61 : vector<16xi1>, vector<16xi32>
      %swap3A_63 = arith.constant 0 : index
      %swap3A_64 = tpu.vector_load %arg10[%swap3A_63] {strides = array<i32>} : memref<16xi32, #tpu.memory_space<vmem>>, vector<16xi32>,
      tpu.vector_store %arg10[%swap3A_63], %select_n3A_62 {strides = array<i32>} : memref<16xi32, #tpu.memory_space<vmem>>, vector<16xi32>,
      %add3A_65 = arith.constant 0 : i32
      %add3A_66 = vector.broadcast %add3A_65 : i32 to vector<16xi32>
      %add3A_67 = arith.addi %add3A_66, %shift_right_logical3A_36 : vector<16xi32>
      %gather3A_68 = tpu.vector_load_idx %arg9[%add3A_67, %and3A_34] : memref<16x128xi32, #tpu.memory_space<vmem>>[vector<16xi32>, vector<16xi32>], vector<16xi32>,
      %lt3A_69 = arith.cmpi slt, %add3A_67, %broadcast_in_dim3A_59 : vector<16xi32>
      %jit3A_70 = arith.constant -1 : i32
      %broadcast_in_dim3A_71 = vector.broadcast %jit3A_70 : i32 to vector<16xi32>
      %select_n3A_72 = arith.select %lt3A_69, %gather3A_68, %broadcast_in_dim3A_71 : vector<16xi1>, vector<16xi32>
      tpu.vector_store_idx %arg11[%add3A_67, %and3A_34], %select_n3A_72 : memref<16x8xi32, #tpu.memory_space<vmem>>[vector<16xi32>, vector<16xi32>], vector<16xi32>,
      %add3A_73 = arith.constant 2 : i32
      %add3A_74 = vector.broadcast %add3A_73 : i32 to vector<16xi32>
      %add3A_75 = arith.addi %add3A_74, %shift_right_logical3A_36 : vector<16xi32>
      %gather3A_76 = tpu.vector_load_idx %arg9[%add3A_75, %and3A_34] : memref<16x128xi32, #tpu.memory_space<vmem>>[vector<16xi32>, vector<16xi32>], vector<16xi32>,
      %lt3A_77 = arith.cmpi slt, %add3A_75, %broadcast_in_dim3A_59 : vector<16xi32>
      %jit3A_78 = arith.constant -1 : i32
      %broadcast_in_dim3A_79 = vector.broadcast %jit3A_78 : i32 to vector<16xi32>
      %select_n3A_80 = arith.select %lt3A_77, %gather3A_76, %broadcast_in_dim3A_79 : vector<16xi1>, vector<16xi32>
      tpu.vector_store_idx %arg11[%add3A_75, %and3A_34], %select_n3A_80 : memref<16x8xi32, #tpu.memory_space<vmem>>[vector<16xi32>, vector<16xi32>], vector<16xi32>,
      %add3A_81 = arith.constant 4 : i32
      %add3A_82 = vector.broadcast %add3A_81 : i32 to vector<16xi32>
      %add3A_83 = arith.addi %add3A_82, %shift_right_logical3A_36 : vector<16xi32>
      %gather3A_84 = tpu.vector_load_idx %arg9[%add3A_83, %and3A_34] : memref<16x128xi32, #tpu.memory_space<vmem>>[vector<16xi32>, vector<16xi32>], vector<16xi32>,
      %lt3A_85 = arith.cmpi slt, %add3A_83, %broadcast_in_dim3A_59 : vector<16xi32>
      %jit3A_86 = arith.constant -1 : i32
      %broadcast_in_dim3A_87 = vector.broadcast %jit3A_86 : i32 to vector<16xi32>
      %select_n3A_88 = arith.select %lt3A_85, %gather3A_84, %broadcast_in_dim3A_87 : vector<16xi1>, vector<16xi32>
      tpu.vector_store_idx %arg11[%add3A_83, %and3A_34], %select_n3A_88 : memref<16x8xi32, #tpu.memory_space<vmem>>[vector<16xi32>, vector<16xi32>], vector<16xi32>,
      %add3A_89 = arith.constant 6 : i32
      %add3A_90 = vector.broadcast %add3A_89 : i32 to vector<16xi32>
      %add3A_91 = arith.addi %add3A_90, %shift_right_logical3A_36 : vector<16xi32>
      %gather3A_92 = tpu.vector_load_idx %arg9[%add3A_91, %and3A_34] : memref<16x128xi32, #tpu.memory_space<vmem>>[vector<16xi32>, vector<16xi32>], vector<16xi32>,
      %lt3A_93 = arith.cmpi slt, %add3A_91, %broadcast_in_dim3A_59 : vector<16xi32>
      %jit3A_94 = arith.constant -1 : i32
      %broadcast_in_dim3A_95 = vector.broadcast %jit3A_94 : i32 to vector<16xi32>
      %select_n3A_96 = arith.select %lt3A_93, %gather3A_92, %broadcast_in_dim3A_95 : vector<16xi1>, vector<16xi32>
      tpu.vector_store_idx %arg11[%add3A_91, %and3A_34], %select_n3A_96 : memref<16x8xi32, #tpu.memory_space<vmem>>[vector<16xi32>, vector<16xi32>], vector<16xi32>,
      %add3A_97 = arith.constant 8 : i32
      %add3A_98 = vector.broadcast %add3A_97 : i32 to vector<16xi32>
      %add3A_99 = arith.addi %add3A_98, %shift_right_logical3A_36 : vector<16xi32>
      %gather3A_100 = tpu.vector_load_idx %arg9[%add3A_99, %and3A_34] : memref<16x128xi32, #tpu.memory_space<vmem>>[vector<16xi32>, vector<16xi32>], vector<16xi32>,
      %lt3A_101 = arith.cmpi slt, %add3A_99, %broadcast_in_dim3A_59 : vector<16xi32>
      %jit3A_102 = arith.constant -1 : i32
      %broadcast_in_dim3A_103 = vector.broadcast %jit3A_102 : i32 to vector<16xi32>
      %select_n3A_104 = arith.select %lt3A_101, %gather3A_100, %broadcast_in_dim3A_103 : vector<16xi1>, vector<16xi32>
      tpu.vector_store_idx %arg11[%add3A_99, %and3A_34], %select_n3A_104 : memref<16x8xi32, #tpu.memory_space<vmem>>[vector<16xi32>, vector<16xi32>], vector<16xi32>,
      %add3A_105 = arith.constant 10 : i32
      %add3A_106 = vector.broadcast %add3A_105 : i32 to vector<16xi32>
      %add3A_107 = arith.addi %add3A_106, %shift_right_logical3A_36 : vector<16xi32>
      %gather3A_108 = tpu.vector_load_idx %arg9[%add3A_107, %and3A_34] : memref<16x128xi32, #tpu.memory_space<vmem>>[vector<16xi32>, vector<16xi32>], vector<16xi32>,
      %lt3A_109 = arith.cmpi slt, %add3A_107, %broadcast_in_dim3A_59 : vector<16xi32>
      %jit3A_110 = arith.constant -1 : i32
      %broadcast_in_dim3A_111 = vector.broadcast %jit3A_110 : i32 to vector<16xi32>
      %select_n3A_112 = arith.select %lt3A_109, %gather3A_108, %broadcast_in_dim3A_111 : vector<16xi1>, vector<16xi32>
      tpu.vector_store_idx %arg11[%add3A_107, %and3A_34], %select_n3A_112 : memref<16x8xi32, #tpu.memory_space<vmem>>[vector<16xi32>, vector<16xi32>], vector<16xi32>,
      %add3A_113 = arith.constant 12 : i32
      %add3A_114 = vector.broadcast %add3A_113 : i32 to vector<16xi32>
      %add3A_115 = arith.addi %add3A_114, %shift_right_logical3A_36 : vector<16xi32>
      %gather3A_116 = tpu.vector_load_idx %arg9[%add3A_115, %and3A_34] : memref<16x128xi32, #tpu.memory_space<vmem>>[vector<16xi32>, vector<16xi32>], vector<16xi32>,
      %lt3A_117 = arith.cmpi slt, %add3A_115, %broadcast_in_dim3A_59 : vector<16xi32>
      %jit3A_118 = arith.constant -1 : i32
      %broadcast_in_dim3A_119 = vector.broadcast %jit3A_118 : i32 to vector<16xi32>
      %select_n3A_120 = arith.select %lt3A_117, %gather3A_116, %broadcast_in_dim3A_119 : vector<16xi1>, vector<16xi32>
      tpu.vector_store_idx %arg11[%add3A_115, %and3A_34], %select_n3A_120 : memref<16x8xi32, #tpu.memory_space<vmem>>[vector<16xi32>, vector<16xi32>], vector<16xi32>,
      %add3A_121 = arith.constant 14 : i32
      %add3A_122 = vector.broadcast %add3A_121 : i32 to vector<16xi32>
      %add3A_123 = arith.addi %add3A_122, %shift_right_logical3A_36 : vector<16xi32>
      %gather3A_124 = tpu.vector_load_idx %arg9[%add3A_123, %and3A_34] : memref<16x128xi32, #tpu.memory_space<vmem>>[vector<16xi32>, vector<16xi32>], vector<16xi32>,
      %lt3A_125 = arith.cmpi slt, %add3A_123, %broadcast_in_dim3A_59 : vector<16xi32>
      %jit3A_126 = arith.constant -1 : i32
      %broadcast_in_dim3A_127 = vector.broadcast %jit3A_126 : i32 to vector<16xi32>
      %select_n3A_128 = arith.select %lt3A_125, %gather3A_124, %broadcast_in_dim3A_127 : vector<16xi1>, vector<16xi32>
      tpu.vector_store_idx %arg11[%add3A_123, %and3A_34], %select_n3A_128 : memref<16x8xi32, #tpu.memory_space<vmem>>[vector<16xi32>, vector<16xi32>], vector<16xi32>,
      "tpu.region"() ({
        %run_scoped3A = tpu.sem_alloc : memref<!tpu.dma_semaphore, #tpu.memory_space<semaphore_mem>>
        %dma_start3A = arith.constant 0 : i32
        %dma_start3A_136 = tpu.memref_slice %arg6[%add3A_51, %dma_start3A] : memref<24576x8xi32, #tpu.memory_space<hbm>> -> memref<16x8xi32, #tpu.memory_space<hbm>>
        %dma_start3A_137 = arith.constant 0 : i32
        %dma_start3A_138 = tpu.memref_slice %arg6[%add3A_51, %dma_start3A_137] : memref<24576x8xi32, #tpu.memory_space<hbm>> -> memref<16x8xi32, #tpu.memory_space<hbm>>
        tpu.enqueue_dma source(%arg11 : memref<16x8xi32, #tpu.memory_space<vmem>>) target(%dma_start3A_138 : memref<16x8xi32, #tpu.memory_space<hbm>>) target_semaphore(%run_scoped3A : memref<!tpu.dma_semaphore, #tpu.memory_space<semaphore_mem>>)
        %dma_wait3A = arith.constant 0 : i32
        %dma_wait3A_139 = tpu.memref_slice %arg6[%add3A_51, %dma_wait3A] : memref<24576x8xi32, #tpu.memory_space<hbm>> -> memref<16x8xi32, #tpu.memory_space<hbm>>
        %dma_wait3A_140 = arith.constant 0 : i32
        %dma_wait3A_141 = tpu.memref_slice %arg6[%add3A_51, %dma_wait3A_140] : memref<24576x8xi32, #tpu.memory_space<hbm>> -> memref<16x8xi32, #tpu.memory_space<hbm>>
        tpu.wait_dma2 semaphore(%run_scoped3A : memref<!tpu.dma_semaphore, #tpu.memory_space<semaphore_mem>>) src(%arg11 : memref<16x8xi32, #tpu.memory_space<vmem>>) dst(%dma_wait3A_141 : memref<16x8xi32, #tpu.memory_space<hbm>>)
        tpu.yield
      }) : () -> ()
      %gt3A = arith.constant 0 : i32
      %gt3A_129 = arith.cmpi sgt, %min3A_58, %gt3A : i32
      %convert_element_type3A = arith.extui %gt3A_129 : i1 to i32
      %cond3A = arith.constant 0 : i32
      %cond3A_130 = arith.cmpi ne, %convert_element_type3A, %cond3A : i32
      scf.if %cond3A_130 {
        "tpu.region"() ({
          %run_scoped3A = tpu.sem_alloc : memref<!tpu.dma_semaphore, #tpu.memory_space<semaphore_mem>>
          %dma_start3A = arith.constant 0 : i32
          %dma_start3A_141 = arith.constant 0 : i32
          %dma_start3A_142 = tpu.memref_slice %arg2[%dma_start3A, %dma_start3A_141] : memref<8192x2048xf32, #tpu.memory_space<hbm>> -> memref<8192x2048xf32, #tpu.memory_space<hbm>>
          tpu.enqueue_indirect_dma source(%dma_start3A_142 : memref<8192x2048xf32, #tpu.memory_space<hbm>>) target(%arg12 : memref<16x2048xf32, #tpu.memory_space<vmem>>) offsets(%arg10 : memref<16xi32, #tpu.memory_space<vmem>>) semaphore(%run_scoped3A : memref<!tpu.dma_semaphore, #tpu.memory_space<semaphore_mem>>)
          %dma_wait3A = arith.constant 0 : i32
          %dma_wait3A_143 = arith.constant 0 : i32
          %dma_wait3A_144 = tpu.memref_slice %arg2[%dma_wait3A, %dma_wait3A_143] : memref<8192x2048xf32, #tpu.memory_space<hbm>> -> memref<8192x2048xf32, #tpu.memory_space<hbm>>
          tpu.wait_indirect_dma semaphore(%run_scoped3A : memref<!tpu.dma_semaphore, #tpu.memory_space<semaphore_mem>>) src(%dma_wait3A_144 : memref<8192x2048xf32, #tpu.memory_space<hbm>>) dst(%arg12 : memref<16x2048xf32, #tpu.memory_space<vmem>>)
          tpu.yield
        }) : () -> ()
        "tpu.region"() ({
          %run_scoped3A = tpu.sem_alloc : memref<!tpu.dma_semaphore, #tpu.memory_space<semaphore_mem>>
          %dma_start3A = arith.constant 0 : i32
          %dma_start3A_141 = tpu.memref_slice %arg5[%add3A_51, %dma_start3A] : memref<24576x2048xf32, #tpu.memory_space<hbm>> -> memref<16x2048xf32, #tpu.memory_space<hbm>>
          %dma_start3A_142 = arith.constant 0 : i32
          %dma_start3A_143 = tpu.memref_slice %arg5[%add3A_51, %dma_start3A_142] : memref<24576x2048xf32, #tpu.memory_space<hbm>> -> memref<16x2048xf32, #tpu.memory_space<hbm>>
          tpu.enqueue_dma source(%arg12 : memref<16x2048xf32, #tpu.memory_space<vmem>>) target(%dma_start3A_143 : memref<16x2048xf32, #tpu.memory_space<hbm>>) target_semaphore(%run_scoped3A : memref<!tpu.dma_semaphore, #tpu.memory_space<semaphore_mem>>)
          %dma_wait3A = arith.constant 0 : i32
          %dma_wait3A_144 = tpu.memref_slice %arg5[%add3A_51, %dma_wait3A] : memref<24576x2048xf32, #tpu.memory_space<hbm>> -> memref<16x2048xf32, #tpu.memory_space<hbm>>
          %dma_wait3A_145 = arith.constant 0 : i32
          %dma_wait3A_146 = tpu.memref_slice %arg5[%add3A_51, %dma_wait3A_145] : memref<24576x2048xf32, #tpu.memory_space<hbm>> -> memref<16x2048xf32, #tpu.memory_space<hbm>>
          tpu.wait_dma2 semaphore(%run_scoped3A : memref<!tpu.dma_semaphore, #tpu.memory_space<semaphore_mem>>) src(%arg12 : memref<16x2048xf32, #tpu.memory_space<vmem>>) dst(%dma_wait3A_146 : memref<16x2048xf32, #tpu.memory_space<hbm>>)
          tpu.yield
        }) : () -> ()
        %lt3A_136 = arith.constant 16 : i32
        %lt3A_137 = arith.cmpi slt, %min3A_58, %lt3A_136 : i32
        %convert_element_type3A_138 = arith.extui %lt3A_137 : i1 to i32
        %cond3A_139 = arith.constant 0 : i32
        %cond3A_140 = arith.cmpi ne, %convert_element_type3A_138, %cond3A_139 : i32
        scf.if %cond3A_140 {
          %scan3A_141 = arith.constant 0 : i32
          %scan3A_142 = arith.constant 16 : i32
          %scan3A_143 = arith.addi %scan3A_141, %scan3A_142 : i32
          %scan3A_144 = arith.constant 1 : i32
          scf.for %scan3A_146 = %scan3A_141 to %scan3A_143 step %scan3A_144  : i32 {
            %mul3A_147 = arith.constant 1 : i32
            %mul3A_148 = arith.muli %scan3A_146, %mul3A_147 : i32
            %add3A_149 = arith.constant 0 : i32
            %add3A_150 = arith.addi %add3A_149, %mul3A_148 : i32
            %ge3A = arith.cmpi sge, %add3A_150, %min3A_58 : i32
            %convert_element_type3A_151 = arith.extui %ge3A : i1 to i32
            %cond3A_152 = arith.constant 0 : i32
            %cond3A_153 = arith.cmpi ne, %convert_element_type3A_151, %cond3A_152 : i32
            scf.if %cond3A_153 {
              %add3A_154 = arith.addi %add3A_51, %add3A_150 : i32
              %run_scoped3A = arith.constant 0 : i32
              "tpu.region"() ({
                %run_scoped3A_155 = tpu.sem_alloc : memref<!tpu.dma_semaphore, #tpu.memory_space<semaphore_mem>>
                %dma_start3A = arith.constant 0 : i32
                %dma_start3A_156 = tpu.memref_slice %arg13[%run_scoped3A, %dma_start3A] : memref<16x2048xf32, #tpu.memory_space<vmem>> -> memref<1x2048xf32, #tpu.memory_space<vmem>>
                %dma_start3A_157 = tpu.memref_squeeze %dma_start3A_156 : memref<1x2048xf32, #tpu.memory_space<vmem>> -> memref<2048xf32, #tpu.memory_space<vmem>>
                %dma_start3A_158 = arith.constant 0 : i32
                %dma_start3A_159 = tpu.memref_slice %arg5[%add3A_154, %dma_start3A_158] : memref<24576x2048xf32, #tpu.memory_space<hbm>> -> memref<1x2048xf32, #tpu.memory_space<hbm>>
                %dma_start3A_160 = tpu.memref_squeeze %dma_start3A_159 : memref<1x2048xf32, #tpu.memory_space<hbm>> -> memref<2048xf32, #tpu.memory_space<hbm>>
                %dma_start3A_161 = arith.constant 0 : i32
                %dma_start3A_162 = tpu.memref_slice %arg5[%add3A_154, %dma_start3A_161] : memref<24576x2048xf32, #tpu.memory_space<hbm>> -> memref<1x2048xf32, #tpu.memory_space<hbm>>
                %dma_start3A_163 = tpu.memref_squeeze %dma_start3A_162 : memref<1x2048xf32, #tpu.memory_space<hbm>> -> memref<2048xf32, #tpu.memory_space<hbm>>
                %dma_start3A_164 = arith.constant 0 : i32
                %dma_start3A_165 = tpu.memref_slice %arg13[%run_scoped3A, %dma_start3A_164] : memref<16x2048xf32, #tpu.memory_space<vmem>> -> memref<1x2048xf32, #tpu.memory_space<vmem>>
                %dma_start3A_166 = tpu.memref_squeeze %dma_start3A_165 : memref<1x2048xf32, #tpu.memory_space<vmem>> -> memref<2048xf32, #tpu.memory_space<vmem>>
                tpu.enqueue_dma source(%dma_start3A_166 : memref<2048xf32, #tpu.memory_space<vmem>>) target(%dma_start3A_163 : memref<2048xf32, #tpu.memory_space<hbm>>) target_semaphore(%run_scoped3A_155 : memref<!tpu.dma_semaphore, #tpu.memory_space<semaphore_mem>>)
                %dma_wait3A = arith.constant 0 : i32
                %dma_wait3A_167 = tpu.memref_slice %arg13[%run_scoped3A, %dma_wait3A] : memref<16x2048xf32, #tpu.memory_space<vmem>> -> memref<1x2048xf32, #tpu.memory_space<vmem>>
                %dma_wait3A_168 = tpu.memref_squeeze %dma_wait3A_167 : memref<1x2048xf32, #tpu.memory_space<vmem>> -> memref<2048xf32, #tpu.memory_space<vmem>>
                %dma_wait3A_169 = arith.constant 0 : i32
                %dma_wait3A_170 = tpu.memref_slice %arg5[%add3A_154, %dma_wait3A_169] : memref<24576x2048xf32, #tpu.memory_space<hbm>> -> memref<1x2048xf32, #tpu.memory_space<hbm>>
                %dma_wait3A_171 = tpu.memref_squeeze %dma_wait3A_170 : memref<1x2048xf32, #tpu.memory_space<hbm>> -> memref<2048xf32, #tpu.memory_space<hbm>>
                %dma_wait3A_172 = arith.constant 0 : i32
                %dma_wait3A_173 = tpu.memref_slice %arg5[%add3A_154, %dma_wait3A_172] : memref<24576x2048xf32, #tpu.memory_space<hbm>> -> memref<1x2048xf32, #tpu.memory_space<hbm>>
                %dma_wait3A_174 = tpu.memref_squeeze %dma_wait3A_173 : memref<1x2048xf32, #tpu.memory_space<hbm>> -> memref<2048xf32, #tpu.memory_space<hbm>>
                %dma_wait3A_175 = arith.constant 0 : i32
                %dma_wait3A_176 = tpu.memref_slice %arg13[%run_scoped3A, %dma_wait3A_175] : memref<16x2048xf32, #tpu.memory_space<vmem>> -> memref<1x2048xf32, #tpu.memory_space<vmem>>
                %dma_wait3A_177 = tpu.memref_squeeze %dma_wait3A_176 : memref<1x2048xf32, #tpu.memory_space<vmem>> -> memref<2048xf32, #tpu.memory_space<vmem>>
                tpu.wait_dma2 semaphore(%run_scoped3A_155 : memref<!tpu.dma_semaphore, #tpu.memory_space<semaphore_mem>>) src(%dma_wait3A_177 : memref<2048xf32, #tpu.memory_space<vmem>>) dst(%dma_wait3A_174 : memref<2048xf32, #tpu.memory_space<hbm>>)
                tpu.yield
              }) : () -> ()
            } else {
            }
          }
          %scan3A_145 = arith.constant 16 : i32
        } else {
        }
      } else {
      }
      %eq3A_131 = arith.constant 0 : i32
      %eq3A_132 = arith.cmpi eq, %min3A_58, %eq3A_131 : i32
      %convert_element_type3A_133 = arith.extui %eq3A_132 : i1 to i32
      %cond3A_134 = arith.constant 0 : i32
      %cond3A_135 = arith.cmpi ne, %convert_element_type3A_133, %cond3A_134 : i32
      scf.if %cond3A_135 {
        "tpu.region"() ({
          %run_scoped3A = tpu.sem_alloc : memref<!tpu.dma_semaphore, #tpu.memory_space<semaphore_mem>>
          %dma_start3A = arith.constant 0 : i32
          %dma_start3A_136 = tpu.memref_slice %arg5[%add3A_51, %dma_start3A] : memref<24576x2048xf32, #tpu.memory_space<hbm>> -> memref<16x2048xf32, #tpu.memory_space<hbm>>
          %dma_start3A_137 = arith.constant 0 : i32
          %dma_start3A_138 = tpu.memref_slice %arg5[%add3A_51, %dma_start3A_137] : memref<24576x2048xf32, #tpu.memory_space<hbm>> -> memref<16x2048xf32, #tpu.memory_space<hbm>>
          tpu.enqueue_dma source(%arg13 : memref<16x2048xf32, #tpu.memory_space<vmem>>) target(%dma_start3A_138 : memref<16x2048xf32, #tpu.memory_space<hbm>>) target_semaphore(%run_scoped3A : memref<!tpu.dma_semaphore, #tpu.memory_space<semaphore_mem>>)
          %dma_wait3A = arith.constant 0 : i32
          %dma_wait3A_139 = tpu.memref_slice %arg5[%add3A_51, %dma_wait3A] : memref<24576x2048xf32, #tpu.memory_space<hbm>> -> memref<16x2048xf32, #tpu.memory_space<hbm>>
          %dma_wait3A_140 = arith.constant 0 : i32
          %dma_wait3A_141 = tpu.memref_slice %arg5[%add3A_51, %dma_wait3A_140] : memref<24576x2048xf32, #tpu.memory_space<hbm>> -> memref<16x2048xf32, #tpu.memory_space<hbm>>
          tpu.wait_dma2 semaphore(%run_scoped3A : memref<!tpu.dma_semaphore, #tpu.memory_space<semaphore_mem>>) src(%arg13 : memref<16x2048xf32, #tpu.memory_space<vmem>>) dst(%dma_wait3A_141 : memref<16x2048xf32, #tpu.memory_space<hbm>>)
          tpu.yield
        }) : () -> ()
      } else {
      }
    }
    %scan3A_43 = arith.constant 48 : i32
    return
  }
}

</mosaic_0001>

<sc_bundles>
// kernel: kernel.11.cloned.1.call-start
scs
__scs_entry_jumppad:
0x0: {  	(pc) =	sbr.rel $0x88, $3  }
0x1: {  	(tag) =	ssettag $0x0;
	lr =	simm.s32 $0x1  }
0x2: {  	[smem:$0x3F9E] =	sst lr;
	_ =	strace $0xD0000000  }
0x3: {  	_ = 	snop  }
0x4: {  	_ = 	snop  }
0x5: {  	_ = 	snop  }
0x6: {  	_ = 	snop  }
0x7: {  	_ = 	snop  }
__scs_overlays_trampoline_lowered:
0x8: {  	[smem:$0x3FAD] =	sst s0  }
0x9: {  	[smem:$0x3FAE] =	sst s1  }
0xa: {  	[smem:$0x3FAF] =	sst s2  }
0xb: {  	[smem:$0x3FB0] =	sst s3  }
0xc: {  	[smem:$0x3FB1] =	sst s4  }
0xd: {  	[smem:$0x3FB2] =	sst s5  }
0xe: {  	[smem:$0x3FB3] =	sst s6  }
0xf: {  	[smem:$0x3FB4] =	sst s7  }
0x10: {  	[smem:$0x3FB5] =	sst s8  }
0x11: {  	[smem:$0x3FB6] =	sst s9;
	s0 =	simm.s32 @!p0 $0x0  }
0x12: {  	s1 =	sld [smem:$0x3F9C];
	s0 =	simm.s32 @p0 $0x1  }
0x13: {  	[smem:$0x3FB7] =	sst s0;
	s0 =	simm.s32 @!p1 $0x0  }
0x14: {  	s2 =	sld [smem:$0x3F9B];
	s0 =	simm.s32 @p1 $0x1  }
0x15: {  	[smem:$0x3FB8] =	sst s0;
	s0 =	simm.s32 @!p2 $0x0  }
0x16: {  	s3 =	sld [smem:$0x3FDB];
	s0 =	simm.s32 @p2 $0x1  }
0x17: {  	s4 =	simm.s32 $0x1BF5;
	[smem:$0x3FBA] =	sst s0  }
0x18: {  	s0 =	sld [smem:$0x3F9D];
	_ =	swait.ge [sflag:s4], $0x0  }
0x19: {  	s7 =	sld [smem:$0x3F9E]  }
0x1a: {  	s8 =	sadd.s32 $0xFFFFE003, lr  }
0x1b: {  	s9 =	sadd.s32 $0xFFFFFEF7, lr;
	s5 =	simm.s32 $0xFFFFFFFF;
	p2 =	slt.u32 s8, $0xFFFFF086  }
0x1c: {  	p1 =	slt.u32 s9, $0xF7A;
	s5 =	simm.s32 @!p2 $0x0  }
0x1d: {  	s5 =	simm.s32 @p1 $0x1;
	p0 =	seq.s32 s7, s2  }
0x1e: {  	s7 =	smul.u32 @!p0 $0xF7A, s2;
	p2 =	seq.s32 @!p0 s5, $0x0  }
0x1f: {  	s9 =	smul.u32 $0xF7A, s1;
	s8 =	simm.s32 @!p0 $0x1BF5;
	p2 =	por !p2, p0  }
0x20: {  	[sflag:s8] =	ssyncset.s32 @!p0 $0xFFFFF086;
	s6 =	sadd.s32 @!p0 s3, s7;
	s7 =	simm.s32 @!p0 $0x108  }
0x21: {  	s3 =	sadd.s32 s3, s9;
	s6 =	sadd.s32 @!p0 $0x88, s6;
	s7 =	simm.s32 @p2 $0x1082  }
0x22: {  	[simem:s7], [sflag:s8] =	dma.local @!p0 [hbm:s6], $0xF7A  }
0x23: {  	s9 =	sor.u32 $0xD0000000, s2;
	s6 =	simm.s32 $0x108;
	_ =	swait.ge @!p0 [sflag:s8], $0x0  }
0x24: {  	s3 =	sadd.s32 $0x88, s3;
	s6 =	simm.s32 @!p1 $0x1082;
	[sflag:s4] =	ssyncset.s32 $0xFFFFF086  }
0x25: {  	[simem:s6], [sflag:s4] =	dma.local [hbm:s3], $0xF7A  }
0x26: {  	[smem:$0x3F9E] =	sst s1;
	(tag) =	ssettag s2;
	_ =	strace s9  }
0x27: {  	s1 =	sld [smem:$0x3FAE]  }
0x28: {  	s2 =	sld [smem:$0x3FAF]  }
0x29: {  	s4 =	sld [smem:$0x3FB1]  }
0x2a: {  	p0 =	seq.s32 s5, $0x0;
	s5 =	sld [smem:$0x3FB2]  }
0x2b: {  	s6 =	sld [smem:$0x3FB3]  }
0x2c: {  	s7 =	sld [smem:$0x3FB4]  }
0x2d: {  	s3 =	simm.s32 $0x108;
	s8 =	sld [smem:$0x3FB5]  }
0x2e: {  	s3 =	simm.s32 @!p0 $0x1082;
	s9 =	sld [smem:$0x3FB6]  }
0x2f: {  	lr =	sadd.s32 s0, s3;
	s0 =	sld [smem:$0x3FAD]  }
0x30: {  	s3 =	sld [smem:$0x3FB0]  }
0x31: {  	[smem:$0x3FB9] =	sst s10  }
0x32: {  	s10 =	sld [smem:$0x3FB7];
	_ =	sdelay $0x3  }
0x33: {  	p0 =	seq.s32 s10, $0x1;
	s10 =	sld [smem:$0x3FB9];
	_ =	sdelay $0x3  }
0x34: {  	[smem:$0x3FB9] =	sst s10  }
0x35: {  	s10 =	sld [smem:$0x3FB8];
	_ =	sdelay $0x3  }
0x36: {  	p1 =	seq.s32 s10, $0x1;
	s10 =	sld [smem:$0x3FB9];
	_ =	sdelay $0x3  }
0x37: {  	[smem:$0x3FB9] =	sst s10  }
0x38: {  	s10 =	sld [smem:$0x3FBA]  }
0x39: {  	_ = 	snop;
	(pc) =	sbr.ind lr, $3  }
0x3a: {  	_ = 	snop  }
0x3b: {  	_ = 	snop  }
0x3c: {  	p2 =	seq.s32 s10, $0x1;
	s10 =	sld [smem:$0x3FB9]  }
0x3d: {  	_ =	shalt  }
0x3e: {  	_ =	shalt  }
0x3f: {  	_ =	shalt  }
0x40: {  	_ =	shalt  }
0x41: {  	_ =	shalt  }
0x42: {  	_ =	shalt  }
0x43: {  	_ =	shalt  }
0x44: {  	_ =	shalt  }
0x45: {  	_ =	shalt  }
0x46: {  	_ =	shalt  }
0x47: {  	_ =	shalt  }
0x48: {  	_ =	shalt  }
0x49: {  	_ =	shalt  }
0x4a: {  	_ =	shalt  }
0x4b: {  	_ =	shalt  }
0x4c: {  	_ =	shalt  }
0x4d: {  	_ =	shalt  }
0x4e: {  	_ =	shalt  }
0x4f: {  	_ =	shalt  }
0x50: {  	_ =	shalt  }
0x51: {  	_ =	shalt  }
0x52: {  	_ =	shalt  }
0x53: {  	_ =	shalt  }
0x54: {  	_ =	shalt  }
0x55: {  	_ =	shalt  }
0x56: {  	_ =	shalt  }
0x57: {  	_ =	shalt  }
0x58: {  	_ =	shalt  }
0x59: {  	_ =	shalt  }
0x5a: {  	_ =	shalt  }
0x5b: {  	_ =	shalt  }
0x5c: {  	_ =	shalt  }
0x5d: {  	_ =	shalt  }
0x5e: {  	_ =	shalt  }
0x5f: {  	_ =	shalt  }
0x60: {  	_ =	shalt  }
0x61: {  	_ =	shalt  }
0x62: {  	_ =	shalt  }
0x63: {  	_ =	shalt  }
0x64: {  	_ =	shalt  }
0x65: {  	_ =	shalt  }
0x66: {  	_ =	shalt  }
0x67: {  	_ =	shalt  }
0x68: {  	_ =	shalt  }
0x69: {  	_ =	shalt  }
0x6a: {  	_ =	shalt  }
0x6b: {  	_ =	shalt  }
0x6c: {  	_ =	shalt  }
0x6d: {  	_ =	shalt  }
0x6e: {  	_ =	shalt  }
0x6f: {  	_ =	shalt  }
0x70: {  	_ =	shalt  }
0x71: {  	_ =	shalt  }
0x72: {  	_ =	shalt  }
0x73: {  	_ =	shalt  }
0x74: {  	_ =	shalt  }
0x75: {  	_ =	shalt  }
0x76: {  	_ =	shalt  }
0x77: {  	_ =	shalt  }
0x78: {  	_ =	shalt  }
0x79: {  	_ =	shalt  }
0x7a: {  	_ =	shalt  }
0x7b: {  	_ =	shalt  }
0x7c: {  	_ =	shalt  }
0x7d: {  	_ =	shalt  }
0x7e: {  	_ =	shalt  }
0x7f: {  	_ =	shalt  }
0x80: {  	_ =	shalt  }
0x81: {  	_ =	shalt  }
0x82: {  	_ =	shalt  }
0x83: {  	_ =	shalt  }
0x84: {  	_ =	shalt  }
0x85: {  	_ =	shalt  }
0x86: {  	_ =	shalt  }
0x87: {  	_ =	shalt  }
.Lfunc_end0:
.L_simem_size_0:
called_computation.2_lowered:
.L_overlay_start_0:
0x88: {  	s2 =	sld [smem:$0x3FD9]  }
0x89: {  	s3 =	sld [smem:$0x3FFE];
	_ =	sdelay $0x1  }
0x8a: {  	s1 =	srdreg.scid  }
0x8b: {  	s0 =	sand.u32 $0x1, s1  }
0x8c: {  	s14 =	sshll.u32 s0, $0xA;
	s2 =	sadd.s32 s3, s2  }
0x8d: {  	s2 =	sadd.s32 s2, s14  }
0x8e: {  	[smem:$0x3FC5] =	sst s2  }
0x8f: {  	_ = 	snop  }
0x90: {  	s2 =	sld [smem:$0x3FD0];
	_ =	sdelay $0x2  }
0x91: {  	s4 =	simm.s32 $0xA;
	s5 =	simm.s32 $0x10;
	s15 =	sld [smem:$0x3FC9]  }
0x92: {  	[smem:s5], [sflag:s4] =	dma.local [hbm:s2], $0x1  }
0x93: {  	_ =	swait.eq [sflag:s4], $0x1  }
0x94: {  	[sflag:s4] =	ssyncset.done $0x0  }
0x95: {  	[sflag:s4] =	ssyncadd.s32 $0xFFFFFFFF  }
0x96: {  	s16 =	sld [smem:$0x10];
	(tm) =	ssettm $0x1  }
0x97: {  	s17 =	sld [smem:$0x3FFB];
	_ =	sdelay $0x3  }
0x98: {  	_ =	strace s17  }
0x99: {  	s4 =	sld [smem:$0x3FFC];
	_ =	sdelay $0x3  }
0x9a: {  	_ =	strace s4  }
0x9b: {  	s4 =	sld [smem:$0x3FFD];
	_ =	sdelay $0x3  }
0x9c: {  	_ =	strace s4  }
0x9d: {  	_ =	strace $0x8FFFFFFF  }
0x9e: {  	s18 =	sld [smem:$0x3FDB];
	_ =	sdelay $0x1  }
0x9f: {  	s19 =	simm.s32 $_scs_section_size  }
0xa0: {  	s6 =	simm.s32 $_size__tile_overlayer_lowered;
	s7 =	simm.s32 $_tile_overlayer_lowered  }
0xa1: {  	s22 =	simm.s32 $0x1BFF;
	s21 =	sshll.u32 s7, $0x1;
	s4 =	sadd.s32 s19, s18  }
0xa2: {  	s8 =	simm.s32 $0x0;
	s20 =	sshll.u32 s6, $0x1;
	s6 =	sadd.s32 s21, s4  }
0xa3: {  	[timem:s8], [sflag:s22] =	dma.local [hbm:s6], s20  }
0xa4: {  	_ =	swait.ge [sflag:s22], s20  }
0xa5: {  	s5 =	ssub.s32 $0x0, s20;
	[sflag:s22] =	ssyncset.done $0x0  }
0xa6: {  	[sflag:s22] =	ssyncadd.s32 s5;
	_ =	sdelay $0x1  }
0xa7: {  	s23 =	simm.s32 $0x1B8B  }
0xa8: {  	_ =	swait.ge [sflag:s23], $0x1  }
0xa9: {  	[sflag:s23] =	ssyncset.done $0x0  }
0xaa: {  	s25 =	simm.s32 $0x1B8E;
	s24 =	sld [smem:$0x3FFE];
	[sflag:s23] =	ssyncadd.s32 $0xFFFFFFFF  }
0xab: {  	s26 =	simm.s32 $execute0_lowered;
	[smem:$0x3FD2] =	sst s25  }
0xac: {  	s6 =	sshll.u32 s26, $0x1;
	_ =	strace $0x8000004C;
	[dreg:$0x1] =	wrdreg $0xFFFFFFFF  }
0xad: {  	s28 =	simm.s32 $_size_execute0_lowered;
	s4 =	sadd.s32 s4, s6;
	[dreg:$0x0] =	wrdreg $0x0  }
0xae: {  	s6 =	sshll.u32 s28, $0x1;
	[dreg:$0x2] =	wrdreg s4  }
0xaf: {  	[dreg:$0x3] =	wrdreg s6  }
0xb0: {  	[dreg:$0x4] =	wrdreg $0xC0  }
0xb1: {  	_ =	task [dreg:s8], $0x5FFFF  }
0xb2: {  	[dreg:$0x1] =	wrdreg $0xFFFFFFFF  }
0xb3: {  	[dreg:$0x0] =	wrdreg $0x60  }
0xb4: {  	[dreg:$0x2] =	wrdreg s15  }
0xb5: {  	[dreg:$0x3] =	wrdreg s24  }
0xb6: {  	[dreg:$0x4] =	wrdreg s16  }
0xb7: {  	[dreg:$0x5] =	wrdreg $0x9  }
0xb8: {  	_ =	task.clear_ibuf [dreg:s8], $0x6FFFF;
	_ =	strace $0x9000004C  }
0xb9: {  	s29 =	simm.s32 $0x9;
	_ =	strace $0x8000004E  }
0xba: {  	_ =	swait.ge [sflag:s29], $0x1  }
0xbb: {  	[sflag:s29] =	ssyncadd.s32 $0xFFFFFFFF  }
0xbc: {  	_ =	strace $0x9000004E  }
0xbd: {  	_ =	sfence  }
0xbe: {  	s30 =	sld [smem:$0x0];
	_ =	sdelay $0x2  }
0xbf: {  	s31 =	sshll.u32 s1, $0xD;
	s1 =	sshrl.u32 s1, $0x2  }
0xc0: {  	s3 =	sand.u32 $0x4000, s31;
	s1 =	sadd.s32 s1, s30  }
0xc1: {  	s0 =	sor.u32 s3, s0;
	s1 =	sshll.u32 s1, $0x11  }
0xc2: {  	s0 =	sor.u32 s1, s0  }
0xc3: {  	s0 =	sadd.s32 $0x8F2B, s0  }
0xc4: {  	[sflag:s0] =	ssyncadd.remote.s32 $0x1  }
0xc5: {  	_ =	sfence.sel $0xFFFF  }
0xc6: {  	[dreg:$0x0] =	wrdreg $0xFFFFFFFF;
	(pc) =	sbr.abs _section_cstart, $3  }
0xc7: {  	[dreg:$0x1] =	wrdreg $0xFFFFFFFF  }
0xc8: {  	_ =	task.clear_ibuf [dreg:s8], $0x2FFFF;
	_ =	strace $0x9FFFFFFF  }
0xc9: {  	(tm) =	ssettm $0x7FFFFFFF  }
tec
execute0_lowered:
.L_overlay_start_1:
0x0: {  	(tag) =	ssettag $0x1  }
0x1: {  	v0 =	vlaneseq.u32;
	v1 =	vimm.f32 $0.0e+00;
	vm15 =	vcmask $0x300  }
0x2: {  	vm14 =	vcmask $0x704;
	v4 =	vimm.s32 $0x83828180;
	vm13 =	vcmask $0xB08  }
0x3: {  	vm12 =	vcmask $0xF0C;
	v5 =	vimm.s32 $0x87868584;
	vm11 =	vcmask $0x1310  }
0x4: {  	vm10 =	vcmask $0x1714;
	v6 =	vimm.s32 $0x76543210;
	vm9 =	vcmask $0x1B18  }
0x5: {  	vm8 =	vcmask $0x1F1C;
	vm1 =	vcmask $0x1F10;
	vm7 =	vcmask $0x2320  }
0x6: {  	vm6 =	vcmask $0x2724;
	vm5 =	vcmask $0x2B28;
	vm4 =	vcmask $0x2F2C  }
0x7: {  	vm3 =	vcmask $0x3330;
	vm2 =	vcmask $0x3734;
	v8 =	vimm.s32 $0x387  }
0x8: {  	v9 =	vimm.s32 $0x487;
	v12 =	vimm.s32 $0x587;
	v14 =	vimm.s32 $0x687  }
0x9: {  	v15 =	vimm.s32 $0x787;
	v3 =	vmul.u32 $0x80, v0;
	v4 =	vunpack.c.0.s8.s32 v4  }
0xa: {  	v5 =	vunpack.c.0.s8.s32 v5;
	v6 =	vunpack.c.l.s4.s8 v6;
	v8 =	vsel vm15, $0x300, v8  }
0xb: {  	v9 =	vsel vm15, $0x400, v9;
	v13 =	vsel vm15, $0x500, v12;
	v14 =	vsel vm15, $0x600, v14  }
0xc: {  	v15 =	vsel vm15, $0x700, v15;
	v19 =	vand.u32 $0x7, v0;
	v21 =	vor.u32 $0x8, v0  }
0xd: {  	v8 =	vsel vm14, $0x301, v8;
	v9 =	vsel vm14, $0x401, v9;
	v13 =	vsel vm14, $0x501, v13  }
0xe: {  	s0 =	srdreg.scid;
	v14 =	vsel vm14, $0x601, v14;
	v15 =	vsel vm14, $0x701, v15;
	v6 =	vunpack.c.0.s8.s32 v6  }
0xf: {  	s2 =	sand.u32 $0x1, s0;
	v4 =	vsel vm1, v5, v4;
	vm1 =	vcmask $0x3B38;
	v8 =	vsel vm13, $0x302, v8  }
0x10: {  	s1 =	stileid.u32;
	s0 =	sshll.u32 s2, $0x4;
	v9 =	vsel vm13, $0x402, v9;
	v13 =	vsel vm13, $0x502, v13;
	v14 =	vsel vm13, $0x602, v14  }
0x11: {  	s0 =	sor.u32 s1, s0;
	v15 =	vsel vm13, $0x702, v15;
	v8 =	vsel vm12, $0x303, v8;
	v9 =	vsel vm12, $0x403, v9  }
0x12: {  	s0 =	sshrl.u32 s0, $0x1;
	v13 =	vsel vm12, $0x503, v13;
	v14 =	vsel vm12, $0x603, v14;
	v15 =	vsel vm12, $0x703, v15  }
0x13: {  	v2 =	vmov s0;
	v4 =	vcombine.low v6, v4;
	v6 =	vimm.s32 $0x287  }
0x14: {  	v8 =	vsel vm11, $0x304, v8;
	v9 =	vsel vm11, $0x404, v9;
	v13 =	vsel vm11, $0x504, v13  }
0x15: {  	v14 =	vsel vm11, $0x604, v14;
	v15 =	vsel vm11, $0x704, v15;
	vm0 =	veq.s32 v2, v0  }
0x16: {  	v2 =	vimm.s32 $0x187;
	v7 =	vsel vm15, $0x200, v6;
	v8 =	vsel vm10, $0x305, v8  }
0x17: {  	v9 =	vsel vm10, $0x405, v9;
	v13 =	vsel vm10, $0x505, v13;
	v14 =	vsel vm10, $0x605, v14  }
0x18: {  	v15 =	vsel vm10, $0x705, v15;
	v2 =	vsel vm15, $0x100, v2;
	v7 =	vsel vm14, $0x201, v7  }
0x19: {  	v8 =	vsel vm9, $0x306, v8;
	v9 =	vsel vm9, $0x406, v9;
	v13 =	vsel vm9, $0x506, v13  }
0x1a: {  	v14 =	vsel vm9, $0x606, v14;
	v15 =	vsel vm9, $0x706, v15;
	v2 =	vsel vm14, $0x101, v2  }
0x1b: {  	v7 =	vsel vm13, $0x202, v7;
	v8 =	vsel vm8, $0x307, v8;
	v9 =	vsel vm8, $0x407, v9  }
0x1c: {  	v13 =	vsel vm8, $0x507, v13;
	v14 =	vsel vm8, $0x607, v14;
	v15 =	vsel vm8, $0x707, v15  }
0x1d: {  	v2 =	vsel vm13, $0x102, v2;
	v7 =	vsel vm12, $0x203, v7;
	v8 =	vsel vm7, $0x380, v8  }
0x1e: {  	v9 =	vsel vm7, $0x480, v9;
	v13 =	vsel vm7, $0x580, v13;
	v14 =	vsel vm7, $0x680, v14  }
0x1f: {  	v15 =	vsel vm7, $0x780, v15;
	v2 =	vsel vm12, $0x103, v2;
	v7 =	vsel vm11, $0x204, v7  }
0x20: {  	v8 =	vsel vm6, $0x381, v8;
	v9 =	vsel vm6, $0x481, v9;
	v13 =	vsel vm6, $0x581, v13  }
0x21: {  	v14 =	vsel vm6, $0x681, v14;
	v15 =	vsel vm6, $0x781, v15;
	v2 =	vsel vm11, $0x104, v2  }
0x22: {  	v7 =	vsel vm10, $0x205, v7;
	v8 =	vsel vm5, $0x382, v8;
	v9 =	vsel vm5, $0x482, v9  }
0x23: {  	v13 =	vsel vm5, $0x582, v13;
	v14 =	vsel vm5, $0x682, v14;
	v15 =	vsel vm5, $0x782, v15  }
0x24: {  	s17 =	rddreg [dreg:$0x0];
	v2 =	vsel vm10, $0x105, v2;
	v7 =	vsel vm9, $0x206, v7;
	v8 =	vsel vm4, $0x383, v8  }
0x25: {  	s6 =	rddreg [dreg:$0x1];
	v9 =	vsel vm4, $0x483, v9;
	v13 =	vsel vm4, $0x583, v13;
	v14 =	vsel vm4, $0x683, v14  }
0x26: {  	s3 =	rddreg [dreg:$0x2];
	v15 =	vsel vm4, $0x783, v15;
	v2 =	vsel vm9, $0x106, v2;
	v7 =	vsel vm8, $0x207, v7  }
0x27: {  	s4 =	simm.s32 $0x0;
	s20 =	simm.s32 $0x9300;
	s21 =	simm.s32 $0x280;
	v10 =	vsel vm3, $0x384, v8;
	v11 =	vsel vm3, $0x484, v9;
	v13 =	vsel vm3, $0x584, v13  }
0x28: {  	s22 =	simm.s32 $0x2;
	s23 =	simm.s32 $0xB00;
	s24 =	simm.s32 $0x1300;
	v16 =	vsel vm3, $0x684, v14;
	v17 =	vsel vm3, $0x784, v15;
	v2 =	vsel vm8, $0x107, v2  }
0x29: {  	s18 =	simm.s32 $0x1B00;
	s19 =	simm.s32 $0x2300;
	s25 =	simm.s32 $0x2B00;
	v7 =	vsel vm7, $0x280, v7;
	v10 =	vsel vm2, $0x385, v10;
	v11 =	vsel vm2, $0x485, v11  }
0x2a: {  	s28 =	simm.s32 $0x3B00;
	[smem:$0x7FF] =	sst s4;
	s5 =	sadd.s32 $0x2400, s6;
	v13 =	vsel vm2, $0x585, v13;
	v16 =	vsel vm2, $0x685, v16;
	v17 =	vsel vm2, $0x785, v17  }
0x2b: {  	s7 =	sand.u32 $0x1, s1;
	s26 =	sadd.s32 $0x2200, s6;
	s8 =	sadd.s32 $0x62600, s6;
	v2 =	vsel vm7, $0x180, v2;
	v7 =	vsel vm6, $0x281, v7;
	v9 =	vsel vm1, $0x386, v10  }
0x2c: {  	s10 =	sadd.s32 $0x100, s17;
	s11 =	sadd.s32 $0x200, s17;
	s12 =	sadd.s32 $0x300, s17;
	v11 =	vsel vm1, $0x486, v11;
	v13 =	vsel vm1, $0x586, v13;
	v2 =	vsel vm6, $0x181, v2  }
0x2d: {  	s13 =	sadd.s32 $0x400, s17;
	s14 =	sadd.s32 $0x500, s17;
	s15 =	sadd.s32 $0x600, s17;
	v15 =	vsel vm1, $0x686, v16;
	v7 =	vsel vm5, $0x282, v7;
	v5 =	vsel vm5, $0x182, v2  }
0x2e: {  	s16 =	sadd.s32 $0x700, s17;
	_ =	strace $0x8000004D;
	s2 =	ssub.s32 $0x2, s2;
	v2 =	vor.u32 $0x8, v3;
	v7 =	vsel vm4, $0x283, v7;
	v5 =	vsel vm4, $0x183, v5  }
0x2f: {  	p0 =	seq.s32 s7, $0x1;
	[dreg:$0x5] =	wrdreg s26;
	s9 =	smul.u32 $0x600, s0;
	v3 =	vand.u32 $0xFF, v4;
	v7 =	vsel vm3, $0x284, v7;
	v4 =	vsel vm3, $0x184, v5  }
.Ltmp0:
0x30: {  	s1 =	simm.s32 $0x300;
	s29 =	sshrl.u32 s2, $0x1;
	v17 =	vsel vm1, $0x786, v17;
	v7 =	vsel vm2, $0x285, v7;
	v5 =	vsel vm2, $0x185, v4;
	(pc) =	sbr.rel .LBB2_1-.Ltmp0, $4  }
0x31: {  	s1 =	simm.s32 @!p0 $0x0;
	s2 =	ssub.s32 s2, s29;
	s0 =	smul.u32 $0x300000, s0;
	v4 =	vshrl.u32 v0, $0x3;
	v7 =	vsel vm1, $0x286, v7;
	v5 =	vsel vm1, $0x186, v5  }
0x32: {  	[dreg:$0x4] =	wrdreg s1;
	s30 =	sshll.u32 s1, $0xB;
	s31 =	smax.u32 s2, $0x1;
	v6 =	vor.u32 $0x2, v4;
	v8 =	vor.u32 $0x4, v4;
	v10 =	vor.u32 $0x6, v4  }
0x33: {  	s26 =	simm.s32 $0x3300;
	[dreg:$0x6] =	wrdreg s31;
	s0 =	sadd.s32 s30, s0;
	v12 =	vor.u32 $0x8, v4;
	v14 =	vor.u32 $0xA, v4;
	v16 =	vor.u32 $0xC, v4  }
0x34: {  	s9 =	sadd.s32 s1, s9;
	s1 =	simm.s32 $0x0;
	[dreg:$0x7] =	wrdreg s0;
	v18 =	vor.u32 $0xE, v4;
	v20 =	vmul.u32 $0x8, v4;
	vm1 =	vmmov $0xffff  }
.LBB2_15:
0x35: {  	s1 =	rddreg [dreg:$0x8]  }
0x36: {  	s0 =	rddreg [dreg:$0x6];
	s1 =	sadd.s32 $0x1, s1  }
0x37: {  	p0 =	sne.s32 s1, s0  }
.Ltmp1:
0x38: {  	_ = 	snop;
	(pc) =	sbr.rel @!p0 .LBB2_16-.Ltmp1, $1  }
0x39: {  	_ =	sdelay $0x3  }
.LBB2_1:
0x3a: {  	[dreg:$0x8] =	wrdreg s1  }
0x3b: {  	s0 =	rddreg [dreg:$0x5];
	s31 =	simm.s32 $0x1  }
0x3c: {  	[tilespmem:s4], [sflag:$0x1] =	stream.linear.gather [hbm4b:s0+s4], $0x200, $0x38;
	[tilespmem:$0x11300] =	vst v63  }
0x3d: {  	_ =	swait.ge [sflag:s31], $0x200  }
0x3e: {  	[sflag:s31] =	ssyncset.done $0x0  }
0x3f: {  	v22 =	vimm.s32 $0x0;
	[sflag:s31] =	ssyncadd.s32 $0xFFFFFE00  }
0x40: {  	s2 =	simm.s32 $0x0;
	s0 =	simm.s32 $0x40;
	[tilespmem:$0x200] =	vst v22  }
.LBB2_2:
0x41: {  	p0 =	seq.s32 s0, $0x7C0;
	v23 =	vld [tilespmem:s2+$0x0];
	_ =	sdelay $0x1  }
.Ltmp2:
0x42: {  	(pc) =	sbr.rel @!p0 .LBB2_2-.Ltmp2, $3  }
0x43: {  	_ =	sdelay $0x1  }
0x44: {  	v22 =	vadd.s32 v22, v23  }
0x45: {  	s2 =	sshra.s32 s0, $0x2;
	s0 =	sadd.s32 $0x40, s0;
	[tilespmem:$0x200] =	vst v22  }
0x46: {  	v23 =	vld [tilespmem:s2+$0x0];
	_ =	sdelay $0x4  }
0x47: {  	v22 =	vadd.s32 v22, v23  }
0x48: {  	s0 =	simm.s32 $0x0;
	s2 =	simm.s32 $0x0;
	[tilespmem:$0x200] =	vst v22  }
.LBB2_4:
0x49: {  	v23 =	vmov s2  }
0x4a: {  	v25 =	vmov s0;
	v24 =	vshll.u32 v23, $0xB;
	v23 =	vshll.u32 v23, $0x7  }
0x4b: {  	v25 =	vshll.u32 v25, $0x3;
	v24 =	vand.u32 $0x4000, v24;
	v23 =	vand.u32 $0x380, v23  }
0x4c: {  	v25 =	vand.u32 $0x3C00, v25;
	v23 =	vor.u32 v24, v23;
	v24 =	vor.u32 s0, v0  }
0x4d: {  	v24 =	vand.u32 $0x7F, v24;
	v25 =	vor.u32 v25, v23  }
0x4e: {  	s6 =	simm.s32 $0x10;
	v24 =	vor.u32 v24, v25  }
.LBB2_5:
0x4f: {  	p0 =	sne.s32 s6, $0x7F0  }
.Ltmp3:
0x50: {  	v25 =	vmov s6;
	s7 =	smov.u32 s6;
	s6 =	sadd.s32 $0x10, s6;
	(pc) =	sbr.rel @p0 .LBB2_5-.Ltmp3, $4  }
0x51: {  	v25 =	vshll.u32 v25, $0x3  }
0x52: {  	v26 =	vor.u32 s7, v0;
	v25 =	vand.u32 $0x3C00, v25  }
0x53: {  	v26 =	vand.u32 $0x7F, v26;
	v25 =	vor.u32 v25, v23;
	[tilespmem:v24+s20+$0x0] =	vst.idx.msk $0xffff, v1  }
0x54: {  	v24 =	vor.u32 v26, v25  }
0x55: {  	s2 =	sadd.s32 $0x1, s2  }
0x56: {  	p0 =	seq.s32 s2, $0x10  }
.Ltmp4:
0x57: {  	_ = 	snop;
	(pc) =	sbr.rel @!p0 .LBB2_4-.Ltmp4, $2  }
0x58: {  	_ =	sdelay $0x2  }
0x59: {  	[tilespmem:v24+s20+$0x0] =	vst.idx.msk $0xffff, v1  }
0x5a: {  	v22 =	vnsel vm0, $0x0, v22  }
0x5b: {  	(xrf0) =	vadd.scan.msk.s32 $0xffff, v22;
	_ =	sdelay $0x5  }
0x5c: {  	v22, _, _ =	vpop (xrf0)  }
0x5d: {  	(v2sf) =	vpush v22, $0xF;
	_ =	sdelay $0xe  }
0x5e: {  	s0 =	spop (v2sf)  }
0x5f: {  	p0 =	slt.s32 s0, $0x600  }
.Ltmp5:
0x60: {  	s1 =	rddreg [dreg:$0x4];
	s0 =	simm.s32 @!p0 $0x600;
	(pc) =	sbr.rel .LBB2_8-.Ltmp5, $4  }
0x61: {  	s0 =	ssub.s32 s0, s1  }
0x62: {  	p0 =	sgt.s32 s0, $0x0  }
0x63: {  	s0 =	simm.s32 @!p0 $0x0  }
0x64: {  	s30 =	simm.s32 $0x0;
	s31 =	rddreg [dreg:$0x7];
	s29 =	smin.u32 s0, $0x300  }
.LBB2_13:
0x65: {  	[hbm4b:s0+s4] =	stream.linear.scatter [tilespmem:s20], [sflag:$0x1], $0x8000, $0x38;
	[tilespmem:$0x11300] =	vst v63  }
0x66: {  	s7 =	simm.s32 $0x1  }
0x67: {  	_ =	swait.ge [sflag:s7], $0x8000  }
0x68: {  	[sflag:s7] =	ssyncset.done $0x0  }
0x69: {  	[sflag:s7] =	ssyncadd.s32 $0xFFFF8000  }
.LBB2_14:
0x6a: {  	s30 =	sadd.s32 $0x1, s30  }
0x6b: {  	p0 =	sne.s32 s30, $0x30  }
.Ltmp6:
0x6c: {  	_ = 	snop;
	(pc) =	sbr.rel @!p0 .LBB2_15-.Ltmp6, $2  }
0x6d: {  	_ =	sdelay $0x2  }
0x6e: {  	s31 =	sadd.s32 $0x8000, s31  }
.LBB2_8:
0x6f: {  	s0 =	sshll.u32 s30, $0x4  }
0x70: {  	s6 =	sadd.s32 s0, s9  }
0x71: {  	s7 =	sshll.u32 s6, $0x4  }
0x72: {  	s2 =	sadd.s32 s5, s7  }
0x73: {  	[tilespmem:s21], [sflag:$0x2] =	stream.linear.gather [hbm4b:s2+s4], $0x800, $0x38;
	[tilespmem:$0x11300] =	vst v63  }
0x74: {  	_ =	swait.ge [sflag:s22], $0x800  }
0x75: {  	[sflag:s22] =	ssyncset.done $0x0  }
0x76: {  	s2 =	ssub.s32 s29, s0;
	[sflag:s22] =	ssyncadd.s32 $0xFFFFF800  }
0x77: {  	p0 =	sgt.s32 s2, $0x0;
	s0 =	smov.u32 s2;
	v22 =	vld.idx.msk [tilespmem:v2+s21+$0x0], $0xffff  }
0x78: {  	s0 =	simm.s32 @!p0 $0x0  }
0x79: {  	s0 =	smin.u32 s0, $0x10  }
0x7a: {  	v23 =	vmov s0  }
0x7b: {  	vm2 =	vgt.u32 v23, v0  }
0x7c: {  	v22 =	vnsel vm2, $0x0, v22  }
0x7d: {  	[tilespmem:$0xA80] =	vst v22  }
0x7e: {  	v22 =	vld.idx.msk [tilespmem:v3+s21+$0x0], $0xffff;
	_ =	sdelay $0x3  }
0x7f: {  	vm2 =	vgt.u32 v23, v4  }
0x80: {  	v22 =	vnsel vm2, $0xFFFFFFFF, v22  }
0x81: {  	[tilespmem:v3+s23+$0x0] =	vst.idx.msk $0xffff, v22  }
0x82: {  	v22 =	vld.idx.msk [tilespmem:v5+s21+$0x0], $0xffff;
	_ =	sdelay $0x3  }
0x83: {  	vm2 =	vgt.u32 v23, v6  }
0x84: {  	v22 =	vnsel vm2, $0xFFFFFFFF, v22  }
0x85: {  	[tilespmem:v5+s23+$0x0] =	vst.idx.msk $0xffff, v22  }
0x86: {  	v22 =	vld.idx.msk [tilespmem:v7+s21+$0x0], $0xffff;
	_ =	sdelay $0x3  }
0x87: {  	vm2 =	vgt.u32 v23, v8  }
0x88: {  	v22 =	vnsel vm2, $0xFFFFFFFF, v22  }
0x89: {  	[tilespmem:v7+s23+$0x0] =	vst.idx.msk $0xffff, v22  }
0x8a: {  	v22 =	vld.idx.msk [tilespmem:v9+s21+$0x0], $0xffff;
	_ =	sdelay $0x3  }
0x8b: {  	vm2 =	vgt.u32 v23, v10  }
0x8c: {  	v22 =	vnsel vm2, $0xFFFFFFFF, v22  }
0x8d: {  	[tilespmem:v9+s23+$0x0] =	vst.idx.msk $0xffff, v22  }
0x8e: {  	v22 =	vld.idx.msk [tilespmem:v11+s21+$0x0], $0xffff;
	_ =	sdelay $0x3  }
0x8f: {  	vm2 =	vgt.u32 v23, v12  }
0x90: {  	v22 =	vnsel vm2, $0xFFFFFFFF, v22  }
0x91: {  	[tilespmem:v11+s23+$0x0] =	vst.idx.msk $0xffff, v22  }
0x92: {  	v22 =	vld.idx.msk [tilespmem:v13+s21+$0x0], $0xffff;
	_ =	sdelay $0x3  }
0x93: {  	vm2 =	vgt.u32 v23, v14  }
0x94: {  	v22 =	vnsel vm2, $0xFFFFFFFF, v22  }
0x95: {  	[tilespmem:v13+s23+$0x0] =	vst.idx.msk $0xffff, v22  }
0x96: {  	v22 =	vld.idx.msk [tilespmem:v15+s21+$0x0], $0xffff;
	_ =	sdelay $0x3  }
0x97: {  	vm2 =	vgt.u32 v23, v16  }
0x98: {  	v22 =	vnsel vm2, $0xFFFFFFFF, v22  }
0x99: {  	[tilespmem:v15+s23+$0x0] =	vst.idx.msk $0xffff, v22  }
0x9a: {  	v22 =	vld.idx.msk [tilespmem:v17+s21+$0x0], $0xffff;
	_ =	sdelay $0x3  }
0x9b: {  	vm2 =	vgt.u32 v23, v18  }
0x9c: {  	p0 =	slt.s32 s2, $0x1;
	v22 =	vnsel vm2, $0xFFFFFFFF, v22  }
.Ltmp7:
0x9d: {  	s1 =	sadd.s32 s8, s7;
	[tilespmem:v17+s23+$0x0] =	vst.idx.msk $0xffff, v22;
	(pc) =	sbr.rel @p0 .LBB2_13-.Ltmp7, $4  }
0x9e: {  	[hbm4b:s1+s4] =	stream.linear.scatter [tilespmem:s23], [sflag:$0x2], $0x800, $0x38;
	[tilespmem:$0x11300] =	vst v63  }
0x9f: {  	_ =	swait.ge [sflag:s22], $0x800  }
0xa0: {  	s7 =	sshll.u32 s6, $0x8;
	[sflag:s22] =	ssyncset.done $0x0  }
0xa1: {  	s0 =	sadd.s32 s3, s7;
	[sflag:s22] =	ssyncadd.s32 $0xFFFFF800  }
0xa2: {  	v22 =	vld [tilespmem:$0xA80];
	_ =	sdelay $0x4  }
0xa3: {  	v23 =	vshll.u32 v22, $0x4  }
0xa4: {  	v22 =	vand.u32 $0x7, v22;
	v23 =	vand.u32 $0xFFFFFF80, v23  }
0xa5: {  	v22 =	vor.u32 v22, v23  }
0xa6: {  	v23 =	vperm.xlane v22, v19;
	_ =	sdelay $0x1  }
0xa7: {  	v23 =	vadd.s32 v20, v23;
	_ =	sdelay $0x3  }
0xa8: {  	s6 =	simm.s32 $0x0  }
0xa9: {  	[tilespmem:s24], [sflag:$0x2] =	stream.indirect_vreg.gather [hbm4b:s17+s6], $0x80, v23, vm1, $0xb8;
	[tilespmem:$0x11300] =	vst v63  }
0xaa: {  	_ = 	snop  }
0xab: {  	[tilespmem:s18], [sflag:$0x2] =	stream.indirect_vreg.gather [hbm4b:s10+s6], $0x80, v23, vm1, $0xb8;
	[tilespmem:$0x11300] =	vst v63  }
0xac: {  	_ = 	snop  }
0xad: {  	[tilespmem:s19], [sflag:$0x2] =	stream.indirect_vreg.gather [hbm4b:s11+s6], $0x80, v23, vm1, $0xb8;
	[tilespmem:$0x11300] =	vst v63  }
0xae: {  	_ = 	snop  }
0xaf: {  	[tilespmem:s25], [sflag:$0x2] =	stream.indirect_vreg.gather [hbm4b:s12+s6], $0x80, v23, vm1, $0xb8;
	[tilespmem:$0x11300] =	vst v63  }
0xb0: {  	_ = 	snop  }
0xb1: {  	[tilespmem:s26], [sflag:$0x2] =	stream.indirect_vreg.gather [hbm4b:s13+s6], $0x80, v23, vm1, $0xb8;
	[tilespmem:$0x11300] =	vst v63  }
0xb2: {  	v22 =	vperm.xlane v22, v21  }
0xb3: {  	[tilespmem:s28], [sflag:$0x2] =	stream.indirect_vreg.gather [hbm4b:s14+s6], $0x80, v23, vm1, $0xb8;
	[tilespmem:$0x11300] =	vst v63  }
0xb4: {  	s1 =	simm.s32 $0x4300;
	v22 =	vadd.s32 v20, v22  }
0xb5: {  	[tilespmem:s1], [sflag:$0x2] =	stream.indirect_vreg.gather [hbm4b:s15+s6], $0x80, v23, vm1, $0xb8;
	[tilespmem:$0x11300] =	vst v63  }
0xb6: {  	s7 =	simm.s32 $0x4B00  }
0xb7: {  	[tilespmem:s7], [sflag:$0x2] =	stream.indirect_vreg.gather [hbm4b:s16+s6], $0x80, v23, vm1, $0xb8;
	[tilespmem:$0x11300] =	vst v63  }
0xb8: {  	s7 =	simm.s32 $0x5300  }
0xb9: {  	[tilespmem:s7], [sflag:$0x2] =	stream.indirect_vreg.gather [hbm4b:s17+s6], $0x80, v22, vm1, $0xb8;
	[tilespmem:$0x11300] =	vst v63  }
0xba: {  	s7 =	simm.s32 $0x5B00  }
0xbb: {  	[tilespmem:s7], [sflag:$0x2] =	stream.indirect_vreg.gather [hbm4b:s10+s6], $0x80, v22, vm1, $0xb8;
	[tilespmem:$0x11300] =	vst v63  }
0xbc: {  	s7 =	simm.s32 $0x6300  }
0xbd: {  	[tilespmem:s7], [sflag:$0x2] =	stream.indirect_vreg.gather [hbm4b:s11+s6], $0x80, v22, vm1, $0xb8;
	[tilespmem:$0x11300] =	vst v63  }
0xbe: {  	s7 =	simm.s32 $0x6B00  }
0xbf: {  	[tilespmem:s7], [sflag:$0x2] =	stream.indirect_vreg.gather [hbm4b:s12+s6], $0x80, v22, vm1, $0xb8;
	[tilespmem:$0x11300] =	vst v63  }
0xc0: {  	s7 =	simm.s32 $0x7300  }
0xc1: {  	[tilespmem:s7], [sflag:$0x2] =	stream.indirect_vreg.gather [hbm4b:s13+s6], $0x80, v22, vm1, $0xb8;
	[tilespmem:$0x11300] =	vst v63  }
0xc2: {  	s7 =	simm.s32 $0x7B00  }
0xc3: {  	[tilespmem:s7], [sflag:$0x2] =	stream.indirect_vreg.gather [hbm4b:s14+s6], $0x80, v22, vm1, $0xb8;
	[tilespmem:$0x11300] =	vst v63  }
0xc4: {  	s7 =	simm.s32 $0x8300  }
0xc5: {  	[tilespmem:s7], [sflag:$0x2] =	stream.indirect_vreg.gather [hbm4b:s15+s6], $0x80, v22, vm1, $0xb8;
	[tilespmem:$0x11300] =	vst v63  }
0xc6: {  	s7 =	simm.s32 $0x8B00  }
0xc7: {  	[tilespmem:s7], [sflag:$0x2] =	stream.indirect_vreg.gather [hbm4b:s16+s6], $0x80, v22, vm1, $0xb8;
	[tilespmem:$0x11300] =	vst v63  }
0xc8: {  	_ =	swait.ge [sflag:s22], $0x8000  }
0xc9: {  	p0 =	sgt.u32 s2, $0xF;
	[sflag:s22] =	ssyncset.done $0x0  }
.Ltmp8:
0xca: {  	[sflag:s22] =	ssyncadd.s32 $0xFFFF8000;
	(pc) =	sbr.rel @p0 .LBB2_14-.Ltmp8, $4  }
0xcb: {  	[hbm4b:s0+s6] =	stream.linear.scatter [tilespmem:s24], [sflag:$0x2], $0x8000, $0x38;
	[tilespmem:$0x11300] =	vst v63  }
0xcc: {  	_ =	swait.ge [sflag:s22], $0x8000  }
0xcd: {  	[sflag:s22] =	ssyncset.done $0x0  }
0xce: {  	[sflag:s22] =	ssyncadd.s32 $0xFFFF8000  }
0xcf: {  	p0 =	sgt.s32 s2, $0x0  }
0xd0: {  	s0 =	sand.u32 @!p0 $0xFFFFC000, s31;
	s6 =	sand.u32 @!p0 $0x380, s6  }
0xd1: {  	s0 =	sor.u32 @!p0 s6, s0  }
0xd2: {  	s19 =	smov.u32 s17;
	s0 =	sshrl.u32 @!p0 s0, $0x3;
	p0 =	por p0, p0  }
0xd3: {  	s6 =	sadd.s32 @!p0 s3, s0;
	s17 =	simm.s32 @!p0 $0x0;
	s0 =	simm.s32 @!p0 $0x9300  }
0xd4: {  	[hbm4b:s6+s17] =	stream.linear.scatter @!p0 [tilespmem:s0], [sflag:$0x2], $0x80, $0x38;
	[tilespmem:$0x11300] =	vst v63  }
0xd5: {  	s7 =	simm.s32 @!p0 $0x9700;
	s0 =	sadd.s32 @!p0 $0x80, s6  }
0xd6: {  	[hbm4b:s0+s17] =	stream.linear.scatter @!p0 [tilespmem:s7], [sflag:$0x2], $0x80, $0x38;
	[tilespmem:$0x11300] =	vst v63  }
0xd7: {  	s0 =	sadd.s32 @!p0 $0x100, s6;
	s7 =	simm.s32 @!p0 $0x9B00  }
0xd8: {  	[hbm4b:s0+s17] =	stream.linear.scatter @!p0 [tilespmem:s7], [sflag:$0x2], $0x80, $0x38;
	[tilespmem:$0x11300] =	vst v63  }
0xd9: {  	s0 =	sadd.s32 @!p0 $0x180, s6;
	s7 =	simm.s32 @!p0 $0x9F00  }
0xda: {  	[hbm4b:s0+s17] =	stream.linear.scatter @!p0 [tilespmem:s7], [sflag:$0x2], $0x80, $0x38;
	[tilespmem:$0x11300] =	vst v63  }
0xdb: {  	s0 =	sadd.s32 @!p0 $0x200, s6;
	s7 =	simm.s32 @!p0 $0xA300  }
0xdc: {  	[hbm4b:s0+s17] =	stream.linear.scatter @!p0 [tilespmem:s7], [sflag:$0x2], $0x80, $0x38;
	[tilespmem:$0x11300] =	vst v63  }
0xdd: {  	s0 =	sadd.s32 @!p0 $0x280, s6;
	s7 =	simm.s32 @!p0 $0xA700  }
0xde: {  	[hbm4b:s0+s17] =	stream.linear.scatter @!p0 [tilespmem:s7], [sflag:$0x2], $0x80, $0x38;
	[tilespmem:$0x11300] =	vst v63  }
0xdf: {  	s0 =	sadd.s32 @!p0 $0x300, s6;
	s7 =	simm.s32 @!p0 $0xAB00  }
0xe0: {  	[hbm4b:s0+s17] =	stream.linear.scatter @!p0 [tilespmem:s7], [sflag:$0x2], $0x80, $0x38;
	[tilespmem:$0x11300] =	vst v63  }
0xe1: {  	s0 =	sadd.s32 @!p0 $0x380, s6;
	s7 =	simm.s32 @!p0 $0xAF00  }
0xe2: {  	[hbm4b:s0+s17] =	stream.linear.scatter @!p0 [tilespmem:s7], [sflag:$0x2], $0x80, $0x38;
	[tilespmem:$0x11300] =	vst v63  }
0xe3: {  	s0 =	sadd.s32 @!p0 $0x400, s6;
	s7 =	simm.s32 @!p0 $0xB300  }
0xe4: {  	[hbm4b:s0+s17] =	stream.linear.scatter @!p0 [tilespmem:s7], [sflag:$0x2], $0x80, $0x38;
	[tilespmem:$0x11300] =	vst v63  }
0xe5: {  	s0 =	sadd.s32 @!p0 $0x480, s6;
	s7 =	simm.s32 @!p0 $0xB700  }
0xe6: {  	[hbm4b:s0+s17] =	stream.linear.scatter @!p0 [tilespmem:s7], [sflag:$0x2], $0x80, $0x38;
	[tilespmem:$0x11300] =	vst v63  }
0xe7: {  	s0 =	sadd.s32 @!p0 $0x500, s6;
	s7 =	simm.s32 @!p0 $0xBB00  }
0xe8: {  	[hbm4b:s0+s17] =	stream.linear.scatter @!p0 [tilespmem:s7], [sflag:$0x2], $0x80, $0x38;
	[tilespmem:$0x11300] =	vst v63  }
0xe9: {  	s18 =	simm.s32 $0x80;
	s0 =	sadd.s32 @!p0 $0x580, s6;
	s7 =	simm.s32 @!p0 $0xBF00  }
0xea: {  	[hbm4b:s0+s17] =	stream.linear.scatter @!p0 [tilespmem:s7], [sflag:$0x2], $0x80, $0x38;
	[tilespmem:$0x11300] =	vst v63  }
0xeb: {  	p2 =	sgt.s32 s2, $0x1;
	s25 =	simm.s32 @!p0 $0xC300;
	s7 =	sadd.s32 @!p0 $0x600, s6  }
0xec: {  	[hbm4b:s7+s17] =	stream.linear.scatter @!p0 [tilespmem:s25], [sflag:$0x2], $0x80, $0x38;
	[tilespmem:$0x11300] =	vst v63  }
0xed: {  	s18 =	sand.u32 @!p2 $0x380, s18;
	s26 =	simm.s32 @!p0 $0xC700;
	s25 =	sadd.s32 @!p0 $0x680, s6  }
0xee: {  	[hbm4b:s25+s17] =	stream.linear.scatter @!p0 [tilespmem:s26], [sflag:$0x2], $0x80, $0x38;
	[tilespmem:$0x11300] =	vst v63  }
0xef: {  	s28 =	simm.s32 @!p0 $0xCB00;
	s7 =	sadd.s32 $0x800, s31;
	s25 =	sadd.s32 @!p0 $0x700, s6  }
0xf0: {  	[hbm4b:s25+s17] =	stream.linear.scatter @!p0 [tilespmem:s28], [sflag:$0x2], $0x80, $0x38;
	[tilespmem:$0x11300] =	vst v63  }
0xf1: {  	s26 =	simm.s32 @!p0 $0x2;
	s6 =	sadd.s32 @!p0 $0x780, s6;
	s25 =	simm.s32 @!p0 $0xCF00  }
0xf2: {  	[hbm4b:s6+s17] =	stream.linear.scatter @!p0 [tilespmem:s25], [sflag:$0x2], $0x80, $0x38;
	[tilespmem:$0x11300] =	vst v63  }
0xf3: {  	s0 =	simm.s32 $0x100;
	s6 =	sand.u32 @!p2 $0xFFFFC000, s7;
	_ =	swait.ge @!p0 [sflag:s26], $0x800  }
0xf4: {  	s17 =	simm.s32 $0x1;
	s6 =	sor.u32 @!p2 s18, s6;
	[sflag:s26] =	ssyncset.done @!p0 $0x0  }
.LBB2_11:
0xf5: {  	s6 =	sshrl.u32 @!p2 s6, $0x3;
	[sflag:s26] =	ssyncadd.s32 @!p0 $0xFFFFF800  }
0xf6: {  	s18 =	smov.u32 s0;
	s0 =	sadd.s32 $0x80, s0;
	p0 =	por p2, p2  }
0xf7: {  	s25 =	sadd.s32 @!p0 s3, s6;
	s6 =	simm.s32 @!p0 $0x0;
	s26 =	simm.s32 @!p0 $0x9300  }
0xf8: {  	[hbm4b:s25+s6] =	stream.linear.scatter @!p0 [tilespmem:s26], [sflag:$0x2], $0x80, $0x38;
	[tilespmem:$0x11300] =	vst v63  }
0xf9: {  	p1 =	seq.s32 s0, $0x800;
	s28 =	simm.s32 @!p0 $0x9700;
	s26 =	sadd.s32 @!p0 $0x80, s25  }
0xfa: {  	[hbm4b:s26+s6] =	stream.linear.scatter @!p0 [tilespmem:s28], [sflag:$0x2], $0x80, $0x38;
	[tilespmem:$0x11300] =	vst v63  }
0xfb: {  	s26 =	sadd.s32 @!p0 $0x100, s25;
	s28 =	simm.s32 @!p0 $0x9B00  }
0xfc: {  	[hbm4b:s26+s6] =	stream.linear.scatter @!p0 [tilespmem:s28], [sflag:$0x2], $0x80, $0x38;
	[tilespmem:$0x11300] =	vst v63  }
0xfd: {  	s26 =	sadd.s32 @!p0 $0x180, s25;
	s28 =	simm.s32 @!p0 $0x9F00  }
0xfe: {  	[hbm4b:s26+s6] =	stream.linear.scatter @!p0 [tilespmem:s28], [sflag:$0x2], $0x80, $0x38;
	[tilespmem:$0x11300] =	vst v63  }
0xff: {  	s26 =	sadd.s32 @!p0 $0x200, s25;
	s28 =	simm.s32 @!p0 $0xA300  }
0x100: {  	[hbm4b:s26+s6] =	stream.linear.scatter @!p0 [tilespmem:s28], [sflag:$0x2], $0x80, $0x38;
	[tilespmem:$0x11300] =	vst v63  }
0x101: {  	s26 =	sadd.s32 @!p0 $0x280, s25;
	s28 =	simm.s32 @!p0 $0xA700  }
0x102: {  	[hbm4b:s26+s6] =	stream.linear.scatter @!p0 [tilespmem:s28], [sflag:$0x2], $0x80, $0x38;
	[tilespmem:$0x11300] =	vst v63  }
0x103: {  	s26 =	sadd.s32 @!p0 $0x300, s25;
	s28 =	simm.s32 @!p0 $0xAB00  }
0x104: {  	[hbm4b:s26+s6] =	stream.linear.scatter @!p0 [tilespmem:s28], [sflag:$0x2], $0x80, $0x38;
	[tilespmem:$0x11300] =	vst v63  }
0x105: {  	s26 =	sadd.s32 @!p0 $0x380, s25;
	s28 =	simm.s32 @!p0 $0xAF00  }
0x106: {  	[hbm4b:s26+s6] =	stream.linear.scatter @!p0 [tilespmem:s28], [sflag:$0x2], $0x80, $0x38;
	[tilespmem:$0x11300] =	vst v63  }
0x107: {  	s26 =	sadd.s32 @!p0 $0x400, s25;
	s28 =	simm.s32 @!p0 $0xB300  }
0x108: {  	[hbm4b:s26+s6] =	stream.linear.scatter @!p0 [tilespmem:s28], [sflag:$0x2], $0x80, $0x38;
	[tilespmem:$0x11300] =	vst v63  }
0x109: {  	s26 =	sadd.s32 @!p0 $0x480, s25;
	s28 =	simm.s32 @!p0 $0xB700  }
0x10a: {  	[hbm4b:s26+s6] =	stream.linear.scatter @!p0 [tilespmem:s28], [sflag:$0x2], $0x80, $0x38;
	[tilespmem:$0x11300] =	vst v63  }
0x10b: {  	s26 =	sadd.s32 @!p0 $0x500, s25;
	s28 =	simm.s32 @!p0 $0xBB00  }
0x10c: {  	[hbm4b:s26+s6] =	stream.linear.scatter @!p0 [tilespmem:s28], [sflag:$0x2], $0x80, $0x38;
	[tilespmem:$0x11300] =	vst v63  }
0x10d: {  	s26 =	sadd.s32 @!p0 $0x580, s25;
	s28 =	simm.s32 @!p0 $0xBF00  }
0x10e: {  	[hbm4b:s26+s6] =	stream.linear.scatter @!p0 [tilespmem:s28], [sflag:$0x2], $0x80, $0x38;
	[tilespmem:$0x11300] =	vst v63  }
0x10f: {  	s7 =	sadd.s32 $0x800, s7;
	s26 =	sadd.s32 @!p0 $0x600, s25;
	s28 =	simm.s32 @!p0 $0xC300  }
0x110: {  	[hbm4b:s26+s6] =	stream.linear.scatter @!p0 [tilespmem:s28], [sflag:$0x2], $0x80, $0x38;
	[tilespmem:$0x11300] =	vst v63  }
0x111: {  	s17 =	sadd.s32 $0x1, s17;
	s26 =	sadd.s32 @!p0 $0x680, s25;
	s28 =	simm.s32 @!p0 $0xC700  }
0x112: {  	[hbm4b:s26+s6] =	stream.linear.scatter @!p0 [tilespmem:s28], [sflag:$0x2], $0x80, $0x38;
	[tilespmem:$0x11300] =	vst v63  }
0x113: {  	s1 =	simm.s32 @!p0 $0xCB00;
	s28 =	sadd.s32 @!p0 $0x700, s25;
	s26 =	simm.s32 @!p0 $0x2  }
0x114: {  	[hbm4b:s28+s6] =	stream.linear.scatter @!p0 [tilespmem:s1], [sflag:$0x2], $0x80, $0x38;
	[tilespmem:$0x11300] =	vst v63  }
.Ltmp9:
0x115: {  	_ = 	snop;
	(pc) =	sbr.rel @!p1 .LBB2_11-.Ltmp9, $4  }
0x116: {  	p2 =	sgt.s32 s2, s17;
	s1 =	sadd.s32 @!p0 $0x780, s25;
	s25 =	simm.s32 @!p0 $0xCF00  }
0x117: {  	[hbm4b:s1+s6] =	stream.linear.scatter @!p0 [tilespmem:s25], [sflag:$0x2], $0x80, $0x38;
	[tilespmem:$0x11300] =	vst v63  }
0x118: {  	s1 =	sand.u32 @!p2 $0xFFFFC000, s7;
	s6 =	sand.u32 @!p2 $0x380, s18;
	_ =	swait.ge @!p0 [sflag:s26], $0x800  }
0x119: {  	s6 =	sor.u32 @!p2 s6, s1;
	[sflag:s26] =	ssyncset.done @!p0 $0x0  }
0x11a: {  	s0 =	sshrl.u32 @!p2 s6, $0x3;
	[sflag:s26] =	ssyncadd.s32 @!p0 $0xFFFFF800;
	p0 =	por p2, p2  }
0x11b: {  	s0 =	sadd.s32 @!p0 s3, s0;
	s1 =	simm.s32 @!p0 $0x0;
	s2 =	simm.s32 @!p0 $0x9300  }
0x11c: {  	[hbm4b:s0+s1] =	stream.linear.scatter @!p0 [tilespmem:s2], [sflag:$0x2], $0x80, $0x38;
	[tilespmem:$0x11300] =	vst v63  }
0x11d: {  	s6 =	simm.s32 @!p0 $0x9700;
	s2 =	sadd.s32 @!p0 $0x80, s0  }
0x11e: {  	[hbm4b:s2+s1] =	stream.linear.scatter @!p0 [tilespmem:s6], [sflag:$0x2], $0x80, $0x38;
	[tilespmem:$0x11300] =	vst v63  }
0x11f: {  	s2 =	sadd.s32 @!p0 $0x100, s0;
	s6 =	simm.s32 @!p0 $0x9B00  }
0x120: {  	[hbm4b:s2+s1] =	stream.linear.scatter @!p0 [tilespmem:s6], [sflag:$0x2], $0x80, $0x38;
	[tilespmem:$0x11300] =	vst v63  }
0x121: {  	s2 =	sadd.s32 @!p0 $0x180, s0;
	s6 =	simm.s32 @!p0 $0x9F00  }
0x122: {  	[hbm4b:s2+s1] =	stream.linear.scatter @!p0 [tilespmem:s6], [sflag:$0x2], $0x80, $0x38;
	[tilespmem:$0x11300] =	vst v63  }
0x123: {  	s2 =	sadd.s32 @!p0 $0x200, s0;
	s6 =	simm.s32 @!p0 $0xA300  }
0x124: {  	[hbm4b:s2+s1] =	stream.linear.scatter @!p0 [tilespmem:s6], [sflag:$0x2], $0x80, $0x38;
	[tilespmem:$0x11300] =	vst v63  }
0x125: {  	s2 =	sadd.s32 @!p0 $0x280, s0;
	s6 =	simm.s32 @!p0 $0xA700  }
0x126: {  	[hbm4b:s2+s1] =	stream.linear.scatter @!p0 [tilespmem:s6], [sflag:$0x2], $0x80, $0x38;
	[tilespmem:$0x11300] =	vst v63  }
0x127: {  	s2 =	sadd.s32 @!p0 $0x300, s0;
	s6 =	simm.s32 @!p0 $0xAB00  }
0x128: {  	[hbm4b:s2+s1] =	stream.linear.scatter @!p0 [tilespmem:s6], [sflag:$0x2], $0x80, $0x38;
	[tilespmem:$0x11300] =	vst v63  }
0x129: {  	s2 =	sadd.s32 @!p0 $0x380, s0;
	s6 =	simm.s32 @!p0 $0xAF00  }
0x12a: {  	[hbm4b:s2+s1] =	stream.linear.scatter @!p0 [tilespmem:s6], [sflag:$0x2], $0x80, $0x38;
	[tilespmem:$0x11300] =	vst v63  }
0x12b: {  	s2 =	sadd.s32 @!p0 $0x400, s0;
	s6 =	simm.s32 @!p0 $0xB300  }
0x12c: {  	[hbm4b:s2+s1] =	stream.linear.scatter @!p0 [tilespmem:s6], [sflag:$0x2], $0x80, $0x38;
	[tilespmem:$0x11300] =	vst v63  }
0x12d: {  	s2 =	sadd.s32 @!p0 $0x480, s0;
	s6 =	simm.s32 @!p0 $0xB700  }
0x12e: {  	[hbm4b:s2+s1] =	stream.linear.scatter @!p0 [tilespmem:s6], [sflag:$0x2], $0x80, $0x38;
	[tilespmem:$0x11300] =	vst v63  }
0x12f: {  	s2 =	sadd.s32 @!p0 $0x500, s0;
	s6 =	simm.s32 @!p0 $0xBB00  }
0x130: {  	[hbm4b:s2+s1] =	stream.linear.scatter @!p0 [tilespmem:s6], [sflag:$0x2], $0x80, $0x38;
	[tilespmem:$0x11300] =	vst v63  }
0x131: {  	s2 =	sadd.s32 @!p0 $0x580, s0;
	s6 =	simm.s32 @!p0 $0xBF00  }
0x132: {  	[hbm4b:s2+s1] =	stream.linear.scatter @!p0 [tilespmem:s6], [sflag:$0x2], $0x80, $0x38;
	[tilespmem:$0x11300] =	vst v63  }
0x133: {  	s2 =	sadd.s32 @!p0 $0x600, s0;
	s6 =	simm.s32 @!p0 $0xC300  }
0x134: {  	[hbm4b:s2+s1] =	stream.linear.scatter @!p0 [tilespmem:s6], [sflag:$0x2], $0x80, $0x38;
	[tilespmem:$0x11300] =	vst v63  }
0x135: {  	s2 =	sadd.s32 @!p0 $0x680, s0;
	s6 =	simm.s32 @!p0 $0xC700  }
0x136: {  	[hbm4b:s2+s1] =	stream.linear.scatter @!p0 [tilespmem:s6], [sflag:$0x2], $0x80, $0x38;
	[tilespmem:$0x11300] =	vst v63  }
0x137: {  	s2 =	sadd.s32 @!p0 $0x700, s0;
	s6 =	simm.s32 @!p0 $0xCB00;
	s0 =	sadd.s32 @!p0 $0x780, s0  }
0x138: {  	[hbm4b:s2+s1] =	stream.linear.scatter @!p0 [tilespmem:s6], [sflag:$0x2], $0x80, $0x38;
	[tilespmem:$0x11300] =	vst v63  }
.Ltmp10:
0x139: {  	s2 =	simm.s32 @!p0 $0x2;
	s6 =	simm.s32 @!p0 $0xCF00;
	(pc) =	sbr.rel .LBB2_14-.Ltmp10, $4  }
0x13a: {  	[hbm4b:s0+s1] =	stream.linear.scatter @!p0 [tilespmem:s6], [sflag:$0x2], $0x80, $0x38;
	[tilespmem:$0x11300] =	vst v63  }
0x13b: {  	s17 =	smov.u32 s19;
	s18 =	simm.s32 $0x1B00;
	_ =	swait.ge @!p0 [sflag:s2], $0x800  }
0x13c: {  	s19 =	simm.s32 $0x2300;
	s25 =	simm.s32 $0x2B00;
	[sflag:s2] =	ssyncset.done @!p0 $0x0  }
0x13d: {  	s26 =	simm.s32 $0x3300;
	s28 =	simm.s32 $0x3B00;
	[sflag:s2] =	ssyncadd.s32 @!p0 $0xFFFFF800  }
.LBB2_16:
0x13e: {  	_ =	sfence.sel $0x180000  }
0x13f: {  	[bflag:$0x0] =	sbarrier.arrive $0xFFFF  }
0x140: {  	_ =	strace $0x9000004D  }
0x141: {  	s0 =	stileid.u32;
	[bflag:$0x2] =	sbarrier.arrive $0xFFFF  }
0x142: {  	p0 =	sne.s32 s0, $0x0;
	s0 =	rddreg [dreg:$0x3]  }
0x143: {  	s0 =	sadd.s32 @!p0 $0x100000, s0  }
0x144: {  	[sflag:s0] =	ssyncadd.tile.s32 @!p0 $0x1;
	_ =	shalt  }
.Lfunc_end2:
_tile_overlayer_lowered:
.L_overlay_start_2:
0x145: {  	(tag) =	ssettag $0x2  }
0x146: {  	s0 =	rddreg [dreg:$0x0];
	s2 =	stileid.u32  }
0x147: {  	s1 =	rddreg [dreg:$0x1];
	p0 =	sne.s32 s2, $0x0  }
0x148: {  	s3 =	rddreg [dreg:$0x2];
	[bflag:$0x3] =	sbarrier.arrive $0xFFFF;
	s2 =	simm.s32 @!p0 $0x1C01  }
0x149: {  	[timem:s3], [sflag:s2] =	dma.local @!p0 [hbm:s0], s1  }
0x14a: {  	s0 =	simm.s32 @!p0 $0x1  }
0x14b: {  	_ =	swait.ge @!p0 [sflag:s0], s1  }
0x14c: {  	s1 =	ssub.s32 @!p0 $0x0, s1;
	[sflag:s0] =	ssyncset.done @!p0 $0x0  }
0x14d: {  	[sflag:s0] =	ssyncadd.s32 @!p0 s1  }
0x14e: {  	[bflag:$0x3] =	sbarrier.arrive $0xFFFF  }
0x14f: {  	_ =	shalt  }

// kernel: kernel.5.cloned.1.call-start
scs
__scs_entry_jumppad:
0x0: {  	(pc) =	sbr.rel $0x88, $3  }
0x1: {  	(tag) =	ssettag $0x0;
	lr =	simm.s32 $0x1  }
0x2: {  	[smem:$0x3F9E] =	sst lr;
	_ =	strace $0xD0000000  }
0x3: {  	_ = 	snop  }
0x4: {  	_ = 	snop  }
0x5: {  	_ = 	snop  }
0x6: {  	_ = 	snop  }
0x7: {  	_ = 	snop  }
__scs_overlays_trampoline_lowered:
0x8: {  	[smem:$0x3FAD] =	sst s0  }
0x9: {  	[smem:$0x3FAE] =	sst s1  }
0xa: {  	[smem:$0x3FAF] =	sst s2  }
0xb: {  	[smem:$0x3FB0] =	sst s3  }
0xc: {  	[smem:$0x3FB1] =	sst s4  }
0xd: {  	[smem:$0x3FB2] =	sst s5  }
0xe: {  	[smem:$0x3FB3] =	sst s6  }
0xf: {  	[smem:$0x3FB4] =	sst s7  }
0x10: {  	[smem:$0x3FB5] =	sst s8  }
0x11: {  	[smem:$0x3FB6] =	sst s9;
	s0 =	simm.s32 @!p0 $0x0  }
0x12: {  	s1 =	sld [smem:$0x3F9C];
	s0 =	simm.s32 @p0 $0x1  }
0x13: {  	[smem:$0x3FB7] =	sst s0;
	s0 =	simm.s32 @!p1 $0x0  }
0x14: {  	s2 =	sld [smem:$0x3F9B];
	s0 =	simm.s32 @p1 $0x1  }
0x15: {  	[smem:$0x3FB8] =	sst s0;
	s0 =	simm.s32 @!p2 $0x0  }
0x16: {  	s3 =	sld [smem:$0x3FDB];
	s0 =	simm.s32 @p2 $0x1  }
0x17: {  	s4 =	simm.s32 $0x1BF5;
	[smem:$0x3FBA] =	sst s0  }
0x18: {  	s0 =	sld [smem:$0x3F9D];
	_ =	swait.ge [sflag:s4], $0x0  }
0x19: {  	s7 =	sld [smem:$0x3F9E]  }
0x1a: {  	s8 =	sadd.s32 $0xFFFFE003, lr  }
0x1b: {  	s9 =	sadd.s32 $0xFFFFFEF7, lr;
	s5 =	simm.s32 $0xFFFFFFFF;
	p2 =	slt.u32 s8, $0xFFFFF086  }
0x1c: {  	p1 =	slt.u32 s9, $0xF7A;
	s5 =	simm.s32 @!p2 $0x0  }
0x1d: {  	s5 =	simm.s32 @p1 $0x1;
	p0 =	seq.s32 s7, s2  }
0x1e: {  	s7 =	smul.u32 @!p0 $0xF7A, s2;
	p2 =	seq.s32 @!p0 s5, $0x0  }
0x1f: {  	s9 =	smul.u32 $0xF7A, s1;
	s8 =	simm.s32 @!p0 $0x1BF5;
	p2 =	por !p2, p0  }
0x20: {  	[sflag:s8] =	ssyncset.s32 @!p0 $0xFFFFF086;
	s6 =	sadd.s32 @!p0 s3, s7;
	s7 =	simm.s32 @!p0 $0x108  }
0x21: {  	s3 =	sadd.s32 s3, s9;
	s6 =	sadd.s32 @!p0 $0x88, s6;
	s7 =	simm.s32 @p2 $0x1082  }
0x22: {  	[simem:s7], [sflag:s8] =	dma.local @!p0 [hbm:s6], $0xF7A  }
0x23: {  	s9 =	sor.u32 $0xD0000000, s2;
	s6 =	simm.s32 $0x108;
	_ =	swait.ge @!p0 [sflag:s8], $0x0  }
0x24: {  	s3 =	sadd.s32 $0x88, s3;
	s6 =	simm.s32 @!p1 $0x1082;
	[sflag:s4] =	ssyncset.s32 $0xFFFFF086  }
0x25: {  	[simem:s6], [sflag:s4] =	dma.local [hbm:s3], $0xF7A  }
0x26: {  	[smem:$0x3F9E] =	sst s1;
	(tag) =	ssettag s2;
	_ =	strace s9  }
0x27: {  	s1 =	sld [smem:$0x3FAE]  }
0x28: {  	s2 =	sld [smem:$0x3FAF]  }
0x29: {  	s4 =	sld [smem:$0x3FB1]  }
0x2a: {  	p0 =	seq.s32 s5, $0x0;
	s5 =	sld [smem:$0x3FB2]  }
0x2b: {  	s6 =	sld [smem:$0x3FB3]  }
0x2c: {  	s7 =	sld [smem:$0x3FB4]  }
0x2d: {  	s3 =	simm.s32 $0x108;
	s8 =	sld [smem:$0x3FB5]  }
0x2e: {  	s3 =	simm.s32 @!p0 $0x1082;
	s9 =	sld [smem:$0x3FB6]  }
0x2f: {  	lr =	sadd.s32 s0, s3;
	s0 =	sld [smem:$0x3FAD]  }
0x30: {  	s3 =	sld [smem:$0x3FB0]  }
0x31: {  	[smem:$0x3FB9] =	sst s10  }
0x32: {  	s10 =	sld [smem:$0x3FB7];
	_ =	sdelay $0x3  }
0x33: {  	p0 =	seq.s32 s10, $0x1;
	s10 =	sld [smem:$0x3FB9];
	_ =	sdelay $0x3  }
0x34: {  	[smem:$0x3FB9] =	sst s10  }
0x35: {  	s10 =	sld [smem:$0x3FB8];
	_ =	sdelay $0x3  }
0x36: {  	p1 =	seq.s32 s10, $0x1;
	s10 =	sld [smem:$0x3FB9];
	_ =	sdelay $0x3  }
0x37: {  	[smem:$0x3FB9] =	sst s10  }
0x38: {  	s10 =	sld [smem:$0x3FBA]  }
0x39: {  	_ = 	snop;
	(pc) =	sbr.ind lr, $3  }
0x3a: {  	_ = 	snop  }
0x3b: {  	_ = 	snop  }
0x3c: {  	p2 =	seq.s32 s10, $0x1;
	s10 =	sld [smem:$0x3FB9]  }
0x3d: {  	_ =	shalt  }
0x3e: {  	_ =	shalt  }
0x3f: {  	_ =	shalt  }
0x40: {  	_ =	shalt  }
0x41: {  	_ =	shalt  }
0x42: {  	_ =	shalt  }
0x43: {  	_ =	shalt  }
0x44: {  	_ =	shalt  }
0x45: {  	_ =	shalt  }
0x46: {  	_ =	shalt  }
0x47: {  	_ =	shalt  }
0x48: {  	_ =	shalt  }
0x49: {  	_ =	shalt  }
0x4a: {  	_ =	shalt  }
0x4b: {  	_ =	shalt  }
0x4c: {  	_ =	shalt  }
0x4d: {  	_ =	shalt  }
0x4e: {  	_ =	shalt  }
0x4f: {  	_ =	shalt  }
0x50: {  	_ =	shalt  }
0x51: {  	_ =	shalt  }
0x52: {  	_ =	shalt  }
0x53: {  	_ =	shalt  }
0x54: {  	_ =	shalt  }
0x55: {  	_ =	shalt  }
0x56: {  	_ =	shalt  }
0x57: {  	_ =	shalt  }
0x58: {  	_ =	shalt  }
0x59: {  	_ =	shalt  }
0x5a: {  	_ =	shalt  }
0x5b: {  	_ =	shalt  }
0x5c: {  	_ =	shalt  }
0x5d: {  	_ =	shalt  }
0x5e: {  	_ =	shalt  }
0x5f: {  	_ =	shalt  }
0x60: {  	_ =	shalt  }
0x61: {  	_ =	shalt  }
0x62: {  	_ =	shalt  }
0x63: {  	_ =	shalt  }
0x64: {  	_ =	shalt  }
0x65: {  	_ =	shalt  }
0x66: {  	_ =	shalt  }
0x67: {  	_ =	shalt  }
0x68: {  	_ =	shalt  }
0x69: {  	_ =	shalt  }
0x6a: {  	_ =	shalt  }
0x6b: {  	_ =	shalt  }
0x6c: {  	_ =	shalt  }
0x6d: {  	_ =	shalt  }
0x6e: {  	_ =	shalt  }
0x6f: {  	_ =	shalt  }
0x70: {  	_ =	shalt  }
0x71: {  	_ =	shalt  }
0x72: {  	_ =	shalt  }
0x73: {  	_ =	shalt  }
0x74: {  	_ =	shalt  }
0x75: {  	_ =	shalt  }
0x76: {  	_ =	shalt  }
0x77: {  	_ =	shalt  }
0x78: {  	_ =	shalt  }
0x79: {  	_ =	shalt  }
0x7a: {  	_ =	shalt  }
0x7b: {  	_ =	shalt  }
0x7c: {  	_ =	shalt  }
0x7d: {  	_ =	shalt  }
0x7e: {  	_ =	shalt  }
0x7f: {  	_ =	shalt  }
0x80: {  	_ =	shalt  }
0x81: {  	_ =	shalt  }
0x82: {  	_ =	shalt  }
0x83: {  	_ =	shalt  }
0x84: {  	_ =	shalt  }
0x85: {  	_ =	shalt  }
0x86: {  	_ =	shalt  }
0x87: {  	_ =	shalt  }
.Lfunc_end0:
.L_simem_size_0:
called_computation_lowered:
.L_overlay_start_0:
0x88: {  	s2 =	sld [smem:$0x3FD9]  }
0x89: {  	s3 =	sld [smem:$0x3FFE];
	_ =	sdelay $0x1  }
0x8a: {  	s1 =	srdreg.scid  }
0x8b: {  	s0 =	sand.u32 $0x1, s1  }
0x8c: {  	s14 =	sshll.u32 s0, $0xA;
	s2 =	sadd.s32 s3, s2  }
0x8d: {  	s2 =	sadd.s32 s2, s14  }
0x8e: {  	[smem:$0x3FC5] =	sst s2  }
0x8f: {  	_ = 	snop  }
0x90: {  	s2 =	sld [smem:$0x3FD0];
	_ =	sdelay $0x2  }
0x91: {  	s15 =	simm.s32 $0xA;
	s4 =	simm.s32 $0x10  }
0x92: {  	[smem:s4], [sflag:s15] =	dma.local [hbm:s2], $0x1  }
0x93: {  	_ =	swait.eq [sflag:s15], $0x1  }
0x94: {  	[sflag:s15] =	ssyncset.done $0x0  }
0x95: {  	[sflag:s15] =	ssyncadd.s32 $0xFFFFFFFF  }
0x96: {  	s16 =	sld [smem:$0x11];
	(tm) =	ssettm $0x1  }
0x97: {  	s17 =	sld [smem:$0x3FFB];
	_ =	sdelay $0x3  }
0x98: {  	_ =	strace s17  }
0x99: {  	s3 =	sld [smem:$0x3FFC];
	_ =	sdelay $0x3  }
0x9a: {  	_ =	strace s3  }
0x9b: {  	s3 =	sld [smem:$0x3FFD];
	_ =	sdelay $0x3  }
0x9c: {  	_ =	strace s3  }
0x9d: {  	_ =	strace $0x8FFFFFFF  }
0x9e: {  	s18 =	sld [smem:$0x3FDB];
	_ =	sdelay $0x1  }
0x9f: {  	s19 =	simm.s32 $_scs_section_size  }
0xa0: {  	s5 =	simm.s32 $_size__tile_overlayer_lowered;
	s6 =	simm.s32 $_tile_overlayer_lowered  }
0xa1: {  	s22 =	simm.s32 $0x1BFF;
	s21 =	sshll.u32 s6, $0x1;
	s3 =	sadd.s32 s19, s18  }
0xa2: {  	s7 =	simm.s32 $0x0;
	s20 =	sshll.u32 s5, $0x1;
	s5 =	sadd.s32 s21, s3  }
0xa3: {  	[timem:s7], [sflag:s22] =	dma.local [hbm:s5], s20  }
0xa4: {  	_ =	swait.ge [sflag:s22], s20  }
0xa5: {  	s4 =	ssub.s32 $0x0, s20;
	[sflag:s22] =	ssyncset.done $0x0  }
0xa6: {  	[sflag:s22] =	ssyncadd.s32 s4;
	_ =	sdelay $0x1  }
0xa7: {  	s23 =	simm.s32 $0x1B8B  }
0xa8: {  	_ =	swait.ge [sflag:s23], $0x1  }
0xa9: {  	[sflag:s23] =	ssyncset.done $0x0  }
0xaa: {  	s25 =	simm.s32 $0x1B8E;
	s24 =	sld [smem:$0x3FFE];
	[sflag:s23] =	ssyncadd.s32 $0xFFFFFFFF  }
0xab: {  	s26 =	simm.s32 $execute0_lowered;
	[smem:$0x3FD2] =	sst s25  }
0xac: {  	s5 =	sshll.u32 s26, $0x1;
	_ =	strace $0x80000046;
	[dreg:$0x1] =	wrdreg $0xFFFFFFFF  }
0xad: {  	s28 =	simm.s32 $_size_execute0_lowered;
	s3 =	sadd.s32 s3, s5;
	[dreg:$0x0] =	wrdreg $0x0  }
0xae: {  	s5 =	sshll.u32 s28, $0x1;
	[dreg:$0x2] =	wrdreg s3  }
0xaf: {  	[dreg:$0x3] =	wrdreg s5  }
0xb0: {  	[dreg:$0x4] =	wrdreg $0xC0  }
0xb1: {  	_ =	task [dreg:s7], $0x5FFFF  }
0xb2: {  	[dreg:$0x1] =	wrdreg $0xFFFFFFFF  }
0xb3: {  	[dreg:$0x0] =	wrdreg $0x60  }
0xb4: {  	[dreg:$0x2] =	wrdreg s16  }
0xb5: {  	[dreg:$0x3] =	wrdreg s24  }
0xb6: {  	[dreg:$0x4] =	wrdreg $0x9  }
0xb7: {  	_ =	task.clear_ibuf [dreg:s7], $0x5FFFF;
	_ =	strace $0x90000046  }
0xb8: {  	s29 =	simm.s32 $0x9;
	_ =	strace $0x80000048  }
0xb9: {  	_ =	swait.ge [sflag:s29], $0x1  }
0xba: {  	[sflag:s29] =	ssyncadd.s32 $0xFFFFFFFF  }
0xbb: {  	_ =	strace $0x90000048  }
0xbc: {  	_ =	sfence  }
0xbd: {  	s30 =	sld [smem:$0x0];
	_ =	sdelay $0x2  }
0xbe: {  	s31 =	sshll.u32 s1, $0xD;
	s1 =	sshrl.u32 s1, $0x2  }
0xbf: {  	s3 =	sand.u32 $0x4000, s31;
	s1 =	sadd.s32 s1, s30  }
0xc0: {  	s0 =	sor.u32 s3, s0;
	s1 =	sshll.u32 s1, $0x11  }
0xc1: {  	s0 =	sor.u32 s1, s0  }
0xc2: {  	s0 =	sadd.s32 $0x8F2B, s0  }
0xc3: {  	[sflag:s0] =	ssyncadd.remote.s32 $0x1  }
0xc4: {  	_ =	sfence.sel $0xFFFF  }
0xc5: {  	[dreg:$0x0] =	wrdreg $0xFFFFFFFF;
	(pc) =	sbr.abs _section_cstart, $3  }
0xc6: {  	[dreg:$0x1] =	wrdreg $0xFFFFFFFF  }
0xc7: {  	_ =	task.clear_ibuf [dreg:s7], $0x2FFFF;
	_ =	strace $0x9FFFFFFF  }
0xc8: {  	(tm) =	ssettm $0x7FFFFFFF  }
0xc9: {  	_ =	shalt  }
tec
execute0_lowered:
.L_overlay_start_1:
0x0: {  	(tag) =	ssettag $0x1  }
0x1: {  	s3 =	rddreg [dreg:$0x0]  }
0x2: {  	s4 =	rddreg [dreg:$0x1]  }
0x3: {  	s1 =	srdreg.scid;
	s0 =	rddreg [dreg:$0x2];
	s2 =	simm.s32 $0x0  }
0x4: {  	s9 =	simm.s32 $0x200;
	s10 =	simm.s32 $0x0;
	s5 =	sand.u32 $0x1, s1  }
0x5: {  	[smem:$0x7FF] =	sst s2;
	s1 =	stileid.u32;
	s6 =	sshll.u32 s5, $0x4  }
0x6: {  	_ =	strace $0x80000047;
	s5 =	ssub.s32 $0x2, s5;
	s6 =	sor.u32 s1, s6  }
0x7: {  	s8 =	sshrl.u32 s5, $0x1;
	s7 =	sshll.u32 s6, $0x1;
	s6 =	sshll.u32 s6, $0x6  }
0x8: {  	s8 =	ssub.s32 s5, s8;
	s7 =	sadd.s32 s7, s4;
	s4 =	sadd.s32 s6, s4  }
0x9: {  	s3 =	sadd.s32 s3, s6;
	s6 =	smax.u32 s8, $0x1;
	s8 =	simm.s32 $0x400  }
0xa: {  	v0 =	vimm.s32 $0x0;
	v1 =	vimm.s32 $0xFFFFFFFF;
	v2 =	vimm.s32 $0xFFFFFFFE;
	s4 =	sadd.s32 $0x1A00, s4;
	s5 =	sadd.s32 $0x2200, s7;
	s7 =	simm.s32 $0x1  }
.LBB2_1:
0xb: {  	[tilespmem:s2], [sflag:$0x1] =	stream.linear.gather [hbm4b:s3+s2], $0x200, $0x38;
	[tilespmem:$0x500] =	vst v63  }
0xc: {  	_ =	swait.ge [sflag:s7], $0x200  }
0xd: {  	[sflag:s7] =	ssyncset.done $0x0  }
0xe: {  	[sflag:s7] =	ssyncadd.s32 $0xFFFFFE00  }
0xf: {  	[tilespmem:$0x400] =	vst v0  }
0x10: {  	[tilespmem:$0x480] =	vst v1  }
0x11: {  	s11 =	simm.s32 $0x0;
	[tilespmem:$0x4A0] =	vst v2  }
0x12: {  	v3 =	vld [tilespmem:s11+$0x0];
	_ =	sdelay $0x4  }
0x13: {  	[tilespmem:$0x490] =	vst v3  }
0x14: {  	v4 =	vld [tilespmem:$0x49E]  }
0x15: {  	v5 =	vld [tilespmem:$0x48B]  }
0x16: {  	v6 =	vld [tilespmem:$0x48C]  }
0x17: {  	v7 =	vld [tilespmem:$0x495]  }
0x18: {  	v8 =	vld [tilespmem:$0x48D]  }
0x19: {  	v9 =	vld [tilespmem:$0x48F]  }
0x1a: {  	v10 =	vld [tilespmem:$0x494]  }
0x1b: {  	v11 =	vld [tilespmem:$0x48E]  }
0x1c: {  	v13 =	vld [tilespmem:$0x491]  }
0x1d: {  	v12 =	vld [tilespmem:$0x493];
	vm1 =	veq.s32 v4, v3  }
0x1e: {  	v14 =	vld [tilespmem:$0x489];
	vm2 =	veq.s32 v7, v3;
	vm3 =	veq.s32 v8, v3;
	vm4 =	veq.s32 v9, v3  }
0x1f: {  	v7 =	vld [tilespmem:$0x492];
	vm0 =	veq.s32 v10, v3;
	v8 =	vsel vm2, $0x1, v0;
	v4 =	vsel vm1, $0x1, v0  }
0x20: {  	v9 =	vld [tilespmem:$0x48A];
	v10 =	vsel vm4, $0x1, v0;
	vm1 =	veq.s32 v11, v3;
	v11 =	vsel vm3, $0x1, v0  }
0x21: {  	vm2 =	veq.s32 v6, v3;
	v6 =	vld [tilespmem:$0x496];
	vm3 =	veq.s32 v13, v3;
	v15 =	vsel vm1, $0x1, v0  }
0x22: {  	v18 =	vld [tilespmem:$0x497];
	vm1 =	veq.s32 v12, v3;
	v12 =	vsel vm2, $0x1, v0;
	v10 =	vadd.s32 v10, v15  }
0x23: {  	v13 =	vld [tilespmem:$0x488];
	v15 =	vsel vm3, $0x1, v0;
	vm3 =	veq.s32 v5, v3;
	v16 =	vsel vm1, $0x1, v0  }
0x24: {  	v5 =	vld [tilespmem:$0x486];
	v10 =	vadd.s32 v11, v10;
	v11 =	vsel vm3, $0x1, v0;
	vm2 =	veq.s32 v7, v3  }
0x25: {  	vm3 =	veq.s32 v9, v3;
	v9 =	vld [tilespmem:$0x487];
	v10 =	vadd.s32 v12, v10;
	v7 =	vsel vm2, $0x1, v0  }
0x26: {  	v17 =	vsel vm3, $0x1, v0;
	vm1 =	veq.s32 v6, v3;
	vm2 =	veq.s32 v14, v3  }
0x27: {  	v14 =	vld [tilespmem:$0x498];
	v11 =	vadd.s32 v11, v10;
	v7 =	vadd.s32 v15, v7;
	v6 =	vsel vm1, $0x1, v0  }
0x28: {  	vm1 =	veq.s32 v13, v3;
	v13 =	vadd.s32 v16, v7;
	v16 =	vsel vm0, $0x1, v0;
	v7 =	vld [tilespmem:$0x499]  }
0x29: {  	v15 =	vsel vm2, $0x1, v0;
	vm2 =	veq.s32 v18, v3;
	v12 =	vadd.s32 v16, v13;
	v13 =	vld [tilespmem:$0x49A]  }
0x2a: {  	vm0 =	veq.s32 v5, v3;
	v5 =	vsel vm1, $0x1, v0;
	vm1 =	veq.s32 v9, v3;
	v9 =	vld [tilespmem:$0x49B]  }
0x2b: {  	v10 =	vld [tilespmem:$0x49C];
	v16 =	vsel vm2, $0x1, v0;
	v8 =	vadd.s32 v8, v12;
	v12 =	vadd.s32 v17, v11  }
0x2c: {  	v11 =	vld [tilespmem:$0x49D];
	v8 =	vadd.s32 v6, v8;
	v6 =	vsel vm1, $0x1, v0;
	vm1 =	veq.s32 v14, v3  }
0x2d: {  	s12 =	simm.s32 $0x40;
	v12 =	vadd.s32 v15, v12;
	v14 =	vadd.s32 v16, v8;
	v15 =	vsel vm1, $0x1, v0;
	v8 =	vld [tilespmem:$0x485]  }
.LBB2_2:
0x2e: {  	p0 =	sne.s32 s12, $0x7C0;
	v14 =	vadd.s32 v15, v14;
	vm1 =	veq.s32 v7, v3;
	vm2 =	veq.s32 v13, v3;
	v7 =	vld [tilespmem:$0x49F];
	s13 =	smov.u32 s12;
	s12 =	sadd.s32 $0x40, s12  }
0x2f: {  	v13 =	vsel vm1, $0x1, v0;
	v15 =	vsel vm2, $0x1, v0;
	vm1 =	veq.s32 v9, v3;
	v9 =	vld [tilespmem:$0x484]  }
0x30: {  	v13 =	vadd.s32 v13, v14;
	v14 =	vsel vm1, $0x1, v0;
	vm1 =	veq.s32 v10, v3  }
0x31: {  	v10 =	vadd.s32 v15, v13;
	v13 =	vsel vm1, $0x1, v0;
	v15 =	vld [tilespmem:$0x483];
	vm1 =	veq.s32 v11, v3  }
0x32: {  	v5 =	vadd.s32 v5, v12;
	v11 =	vsel vm0, $0x1, v0;
	v12 =	vsel vm1, $0x1, v0  }
0x33: {  	v5 =	vadd.s32 v6, v5;
	vm0 =	veq.s32 v8, v3;
	v6 =	vadd.s32 v14, v10;
	v8 =	vld [tilespmem:$0x482]  }
0x34: {  	v5 =	vadd.s32 v11, v5;
	v10 =	vsel vm0, $0x1, v0;
	vm0 =	veq.s32 v7, v3;
	v11 =	vld [tilespmem:$0x481]  }
0x35: {  	v6 =	vadd.s32 v13, v6;
	v5 =	vadd.s32 v10, v5;
	v7 =	vsel vm0, $0xFFFFFFFF, v0  }
0x36: {  	vm0 =	veq.s32 v9, v3;
	v6 =	vadd.s32 v12, v6;
	vm1 =	veq.s32 v15, v3;
	v9 =	vld.idx.msk [tilespmem:v3+s8+$0x0], $0xffff  }
0x37: {  	v10 =	vsel vm0, $0x1, v0;
	v4 =	vadd.s32 v4, v6;
	v12 =	vsel vm1, $0x1, v0  }
0x38: {  	v5 =	vadd.s32 v10, v5;
	vm1 =	veq.s32 v4, v7;
	vm0 =	veq.s32 v8, v3  }
0x39: {  	v4 =	vadd.s32 v12, v5;
	v5 =	vsel vm0, $0x1, v0;
	vm0 =	veq.s32 v11, v3  }
0x3a: {  	v4 =	vadd.s32 v5, v4;
	v5 =	vsel vm0, $0x1, v0  }
0x3b: {  	v4 =	vadd.s32 v5, v4  }
0x3c: {  	v4 =	vadd.s32 v9, v4  }
0x3d: {  	[tilespmem:s11+$0x200] =	vst v4;
	v4 =	vadd.s32 $0x1, v4  }
0x3e: {  	[tilespmem:v3+s8+$0x0] =	vst.idx.msk vm1, v4;
	_ =	sdelay $0x1  }
0x3f: {  	s11 =	sshra.s32 s13, $0x2  }
0x40: {  	v3 =	vld [tilespmem:s11+$0x0];
	_ =	sdelay $0x4  }
0x41: {  	[tilespmem:$0x490] =	vst v3  }
0x42: {  	v4 =	vld [tilespmem:$0x49E]  }
0x43: {  	v5 =	vld [tilespmem:$0x48B]  }
0x44: {  	v6 =	vld [tilespmem:$0x48C]  }
0x45: {  	v7 =	vld [tilespmem:$0x495]  }
0x46: {  	v8 =	vld [tilespmem:$0x48D]  }
0x47: {  	v9 =	vld [tilespmem:$0x48F];
	vm1 =	veq.s32 v4, v3  }
0x48: {  	v4 =	vld [tilespmem:$0x494]  }
0x49: {  	v10 =	vld [tilespmem:$0x48E]  }
0x4a: {  	v11 =	vld [tilespmem:$0x493];
	vm2 =	veq.s32 v7, v3  }
0x4b: {  	v7 =	vld [tilespmem:$0x491];
	vm3 =	veq.s32 v8, v3  }
0x4c: {  	vm4 =	veq.s32 v9, v3;
	v8 =	vld [tilespmem:$0x492]  }
0x4d: {  	v9 =	vsel vm2, $0x1, v0;
	vm0 =	veq.s32 v4, v3;
	v12 =	vld [tilespmem:$0x48A];
	v4 =	vsel vm1, $0x1, v0  }
0x4e: {  	v13 =	vsel vm4, $0x1, v0;
	vm1 =	veq.s32 v10, v3;
	v10 =	vsel vm3, $0x1, v0;
	v14 =	vld [tilespmem:$0x489]  }
0x4f: {  	vm2 =	veq.s32 v6, v3;
	v15 =	vsel vm1, $0x1, v0;
	vm1 =	veq.s32 v11, v3;
	v6 =	vld [tilespmem:$0x496]  }
0x50: {  	v11 =	vsel vm2, $0x1, v0;
	vm3 =	veq.s32 v7, v3;
	v7 =	vadd.s32 v13, v15;
	v13 =	vld [tilespmem:$0x488]  }
0x51: {  	v15 =	vsel vm3, $0x1, v0;
	vm2 =	veq.s32 v8, v3;
	vm3 =	veq.s32 v5, v3;
	v5 =	vld [tilespmem:$0x486]  }
0x52: {  	v8 =	vadd.s32 v10, v7;
	v10 =	vsel vm3, $0x1, v0;
	vm3 =	veq.s32 v12, v3;
	v12 =	vld [tilespmem:$0x487]  }
0x53: {  	v16 =	vsel vm1, $0x1, v0;
	v7 =	vsel vm2, $0x1, v0;
	v17 =	vsel vm3, $0x1, v0;
	v18 =	vld [tilespmem:$0x497]  }
0x54: {  	v7 =	vadd.s32 v15, v7;
	vm2 =	veq.s32 v14, v3;
	vm1 =	veq.s32 v6, v3;
	v14 =	vld [tilespmem:$0x498]  }
0x55: {  	v15 =	vsel vm2, $0x1, v0;
	v6 =	vsel vm1, $0x1, v0;
	vm1 =	veq.s32 v13, v3  }
0x56: {  	v13 =	vadd.s32 v16, v7;
	v16 =	vsel vm0, $0x1, v0;
	v7 =	vld [tilespmem:$0x499];
	vm0 =	veq.s32 v5, v3  }
.Ltmp0:
0x57: {  	v8 =	vadd.s32 v11, v8;
	v11 =	vadd.s32 v16, v13;
	v5 =	vsel vm1, $0x1, v0;
	v13 =	vld [tilespmem:$0x49A];
	(pc) =	sbr.rel @p0 .LBB2_2-.Ltmp0, $4  }
0x58: {  	v8 =	vadd.s32 v10, v8;
	v10 =	vadd.s32 v9, v11;
	vm1 =	veq.s32 v12, v3;
	v9 =	vld [tilespmem:$0x49B]  }
0x59: {  	v16 =	vadd.s32 v6, v10;
	vm2 =	veq.s32 v18, v3;
	v6 =	vsel vm1, $0x1, v0;
	v10 =	vld [tilespmem:$0x49C]  }
0x5a: {  	v8 =	vadd.s32 v17, v8;
	v17 =	vsel vm2, $0x1, v0;
	vm1 =	veq.s32 v14, v3;
	v11 =	vld [tilespmem:$0x49D]  }
0x5b: {  	v12 =	vadd.s32 v15, v8;
	v14 =	vadd.s32 v17, v16;
	v15 =	vsel vm1, $0x1, v0;
	v8 =	vld [tilespmem:$0x485]  }
0x5c: {  	v14 =	vadd.s32 v15, v14;
	vm1 =	veq.s32 v7, v3;
	vm2 =	veq.s32 v13, v3;
	v44 =	vld [tilespmem:$0x49F]  }
0x5d: {  	v47 =	vld [tilespmem:$0x484];
	v5 =	vadd.s32 v5, v12;
	v52 =	vsel vm0, $0x1, v0;
	v45 =	vsel vm1, $0x1, v0  }
0x5e: {  	v51 =	vld [tilespmem:$0x483];
	v46 =	vsel vm2, $0x1, v0;
	vm6 =	veq.s32 v9, v3;
	v5 =	vadd.s32 v6, v5  }
0x5f: {  	v55 =	vld [tilespmem:$0x482];
	v13 =	vadd.s32 v45, v14;
	v48 =	vsel vm6, $0x1, v0;
	vm7 =	veq.s32 v10, v3  }
0x60: {  	v5 =	vadd.s32 v52, v5;
	v49 =	vadd.s32 v46, v13;
	vm8 =	veq.s32 v11, v3  }
0x61: {  	v50 =	vsel vm7, $0x1, v0;
	v53 =	vsel vm8, $0x1, v0;
	vm9 =	veq.s32 v8, v3  }
0x62: {  	v57 =	vld [tilespmem:$0x481];
	v54 =	vadd.s32 v48, v49;
	v56 =	vsel vm9, $0x1, v0;
	vm10 =	veq.s32 v44, v3  }
0x63: {  	v6 =	vadd.s32 v50, v54;
	vm11 =	veq.s32 v47, v3;
	vm12 =	veq.s32 v51, v3  }
0x64: {  	vm13 =	veq.s32 v55, v3;
	v5 =	vadd.s32 v56, v5;
	v6 =	vadd.s32 v53, v6  }
0x65: {  	v58 =	vld.idx.msk [tilespmem:v3+s8+$0x0], $0xffff;
	v7 =	vsel vm10, $0xFFFFFFFF, v0;
	v59 =	vsel vm11, $0x1, v0;
	v4 =	vadd.s32 v4, v6  }
0x66: {  	v60 =	vsel vm12, $0x1, v0;
	v5 =	vadd.s32 v59, v5;
	vm14 =	veq.s32 v4, v7  }
0x67: {  	vm15 =	veq.s32 v57, v3;
	v62 =	vsel vm13, $0x1, v0;
	v61 =	vadd.s32 v60, v5  }
0x68: {  	v63 =	vsel vm15, $0x1, v0;
	v4 =	vadd.s32 v62, v61  }
0x69: {  	v4 =	vadd.s32 v63, v4  }
0x6a: {  	v4 =	vadd.s32 v58, v4  }
0x6b: {  	[tilespmem:s11+$0x200] =	vst v4;
	v4 =	vadd.s32 $0x1, v4  }
0x6c: {  	[tilespmem:v3+s8+$0x0] =	vst.idx.msk vm14, v4  }
0x6d: {  	[hbm4b:s4+s2] =	stream.linear.scatter [tilespmem:s9], [sflag:$0x1], $0x200, $0x38;
	[tilespmem:$0x500] =	vst v63  }
0x6e: {  	s10 =	sadd.s32 $0x1, s10;
	_ =	swait.ge [sflag:s7], $0x200  }
0x6f: {  	p0 =	sne.s32 s10, s6;
	[sflag:s7] =	ssyncset.done $0x0  }
.Ltmp1:
0x70: {  	[sflag:s7] =	ssyncadd.s32 $0xFFFFFE00;
	(pc) =	sbr.rel @p0 .LBB2_1-.Ltmp1, $4  }
0x71: {  	[hbm4b:s5+s2] =	stream.linear.scatter [tilespmem:s8], [sflag:$0x1], $0x10, $0x38;
	[tilespmem:$0x500] =	vst v63  }
0x72: {  	_ =	swait.ge [sflag:s7], $0x10  }
0x73: {  	[sflag:s7] =	ssyncset.done $0x0  }
0x74: {  	[sflag:s7] =	ssyncadd.s32 $0xFFFFFFF0  }
0x75: {  	_ =	sfence.sel $0x180000  }
0x76: {  	[bflag:$0x0] =	sbarrier.arrive $0xFFFF  }
0x77: {  	p0 =	sne.s32 s1, $0x0;
	_ =	strace $0x90000047  }
0x78: {  	s0 =	sadd.s32 @!p0 $0x100000, s0;
	[bflag:$0x2] =	sbarrier.arrive $0xFFFF  }
0x79: {  	[sflag:s0] =	ssyncadd.tile.s32 @!p0 $0x1;
	_ =	shalt  }
.Lfunc_end2:
_tile_overlayer_lowered:
.L_overlay_start_2:
0x7a: {  	(tag) =	ssettag $0x2  }
0x7b: {  	s0 =	rddreg [dreg:$0x0];
	s2 =	stileid.u32  }
0x7c: {  	s1 =	rddreg [dreg:$0x1];
	p0 =	sne.s32 s2, $0x0  }
0x7d: {  	s3 =	rddreg [dreg:$0x2];
	[bflag:$0x3] =	sbarrier.arrive $0xFFFF;
	s2 =	simm.s32 @!p0 $0x1C01  }
0x7e: {  	[timem:s3], [sflag:s2] =	dma.local @!p0 [hbm:s0], s1  }
0x7f: {  	s0 =	simm.s32 @!p0 $0x1  }
0x80: {  	_ =	swait.ge @!p0 [sflag:s0], s1  }
0x81: {  	s1 =	ssub.s32 @!p0 $0x0, s1;
	[sflag:s0] =	ssyncset.done @!p0 $0x0  }
0x82: {  	[sflag:s0] =	ssyncadd.s32 @!p0 s1  }
0x83: {  	[bflag:$0x3] =	sbarrier.arrive $0xFFFF  }
0x84: {  	_ =	shalt  }

// kernel: kernel.8.cloned.1.call-start
scs
__scs_entry_jumppad:
0x0: {  	(pc) =	sbr.rel $0x88, $3  }
0x1: {  	(tag) =	ssettag $0x0;
	lr =	simm.s32 $0x1  }
0x2: {  	[smem:$0x3F9E] =	sst lr;
	_ =	strace $0xD0000000  }
0x3: {  	_ = 	snop  }
0x4: {  	_ = 	snop  }
0x5: {  	_ = 	snop  }
0x6: {  	_ = 	snop  }
0x7: {  	_ = 	snop  }
__scs_overlays_trampoline_lowered:
0x8: {  	[smem:$0x3FAD] =	sst s0  }
0x9: {  	[smem:$0x3FAE] =	sst s1  }
0xa: {  	[smem:$0x3FAF] =	sst s2  }
0xb: {  	[smem:$0x3FB0] =	sst s3  }
0xc: {  	[smem:$0x3FB1] =	sst s4  }
0xd: {  	[smem:$0x3FB2] =	sst s5  }
0xe: {  	[smem:$0x3FB3] =	sst s6  }
0xf: {  	[smem:$0x3FB4] =	sst s7  }
0x10: {  	[smem:$0x3FB5] =	sst s8  }
0x11: {  	[smem:$0x3FB6] =	sst s9;
	s0 =	simm.s32 @!p0 $0x0  }
0x12: {  	s1 =	sld [smem:$0x3F9C];
	s0 =	simm.s32 @p0 $0x1  }
0x13: {  	[smem:$0x3FB7] =	sst s0;
	s0 =	simm.s32 @!p1 $0x0  }
0x14: {  	s2 =	sld [smem:$0x3F9B];
	s0 =	simm.s32 @p1 $0x1  }
0x15: {  	[smem:$0x3FB8] =	sst s0;
	s0 =	simm.s32 @!p2 $0x0  }
0x16: {  	s3 =	sld [smem:$0x3FDB];
	s0 =	simm.s32 @p2 $0x1  }
0x17: {  	s4 =	simm.s32 $0x1BF5;
	[smem:$0x3FBA] =	sst s0  }
0x18: {  	s0 =	sld [smem:$0x3F9D];
	_ =	swait.ge [sflag:s4], $0x0  }
0x19: {  	s7 =	sld [smem:$0x3F9E]  }
0x1a: {  	s8 =	sadd.s32 $0xFFFFE003, lr  }
0x1b: {  	s9 =	sadd.s32 $0xFFFFFEF7, lr;
	s5 =	simm.s32 $0xFFFFFFFF;
	p2 =	slt.u32 s8, $0xFFFFF086  }
0x1c: {  	p1 =	slt.u32 s9, $0xF7A;
	s5 =	simm.s32 @!p2 $0x0  }
0x1d: {  	s5 =	simm.s32 @p1 $0x1;
	p0 =	seq.s32 s7, s2  }
0x1e: {  	s7 =	smul.u32 @!p0 $0xF7A, s2;
	p2 =	seq.s32 @!p0 s5, $0x0  }
0x1f: {  	s9 =	smul.u32 $0xF7A, s1;
	s8 =	simm.s32 @!p0 $0x1BF5;
	p2 =	por !p2, p0  }
0x20: {  	[sflag:s8] =	ssyncset.s32 @!p0 $0xFFFFF086;
	s6 =	sadd.s32 @!p0 s3, s7;
	s7 =	simm.s32 @!p0 $0x108  }
0x21: {  	s3 =	sadd.s32 s3, s9;
	s6 =	sadd.s32 @!p0 $0x88, s6;
	s7 =	simm.s32 @p2 $0x1082  }
0x22: {  	[simem:s7], [sflag:s8] =	dma.local @!p0 [hbm:s6], $0xF7A  }
0x23: {  	s9 =	sor.u32 $0xD0000000, s2;
	s6 =	simm.s32 $0x108;
	_ =	swait.ge @!p0 [sflag:s8], $0x0  }
0x24: {  	s3 =	sadd.s32 $0x88, s3;
	s6 =	simm.s32 @!p1 $0x1082;
	[sflag:s4] =	ssyncset.s32 $0xFFFFF086  }
0x25: {  	[simem:s6], [sflag:s4] =	dma.local [hbm:s3], $0xF7A  }
0x26: {  	[smem:$0x3F9E] =	sst s1;
	(tag) =	ssettag s2;
	_ =	strace s9  }
0x27: {  	s1 =	sld [smem:$0x3FAE]  }
0x28: {  	s2 =	sld [smem:$0x3FAF]  }
0x29: {  	s4 =	sld [smem:$0x3FB1]  }
0x2a: {  	p0 =	seq.s32 s5, $0x0;
	s5 =	sld [smem:$0x3FB2]  }
0x2b: {  	s6 =	sld [smem:$0x3FB3]  }
0x2c: {  	s7 =	sld [smem:$0x3FB4]  }
0x2d: {  	s3 =	simm.s32 $0x108;
	s8 =	sld [smem:$0x3FB5]  }
0x2e: {  	s3 =	simm.s32 @!p0 $0x1082;
	s9 =	sld [smem:$0x3FB6]  }
0x2f: {  	lr =	sadd.s32 s0, s3;
	s0 =	sld [smem:$0x3FAD]  }
0x30: {  	s3 =	sld [smem:$0x3FB0]  }
0x31: {  	[smem:$0x3FB9] =	sst s10  }
0x32: {  	s10 =	sld [smem:$0x3FB7];
	_ =	sdelay $0x3  }
0x33: {  	p0 =	seq.s32 s10, $0x1;
	s10 =	sld [smem:$0x3FB9];
	_ =	sdelay $0x3  }
0x34: {  	[smem:$0x3FB9] =	sst s10  }
0x35: {  	s10 =	sld [smem:$0x3FB8];
	_ =	sdelay $0x3  }
0x36: {  	p1 =	seq.s32 s10, $0x1;
	s10 =	sld [smem:$0x3FB9];
	_ =	sdelay $0x3  }
0x37: {  	[smem:$0x3FB9] =	sst s10  }
0x38: {  	s10 =	sld [smem:$0x3FBA]  }
0x39: {  	_ = 	snop;
	(pc) =	sbr.ind lr, $3  }
0x3a: {  	_ = 	snop  }
0x3b: {  	_ = 	snop  }
0x3c: {  	p2 =	seq.s32 s10, $0x1;
	s10 =	sld [smem:$0x3FB9]  }
0x3d: {  	_ =	shalt  }
0x3e: {  	_ =	shalt  }
0x3f: {  	_ =	shalt  }
0x40: {  	_ =	shalt  }
0x41: {  	_ =	shalt  }
0x42: {  	_ =	shalt  }
0x43: {  	_ =	shalt  }
0x44: {  	_ =	shalt  }
0x45: {  	_ =	shalt  }
0x46: {  	_ =	shalt  }
0x47: {  	_ =	shalt  }
0x48: {  	_ =	shalt  }
0x49: {  	_ =	shalt  }
0x4a: {  	_ =	shalt  }
0x4b: {  	_ =	shalt  }
0x4c: {  	_ =	shalt  }
0x4d: {  	_ =	shalt  }
0x4e: {  	_ =	shalt  }
0x4f: {  	_ =	shalt  }
0x50: {  	_ =	shalt  }
0x51: {  	_ =	shalt  }
0x52: {  	_ =	shalt  }
0x53: {  	_ =	shalt  }
0x54: {  	_ =	shalt  }
0x55: {  	_ =	shalt  }
0x56: {  	_ =	shalt  }
0x57: {  	_ =	shalt  }
0x58: {  	_ =	shalt  }
0x59: {  	_ =	shalt  }
0x5a: {  	_ =	shalt  }
0x5b: {  	_ =	shalt  }
0x5c: {  	_ =	shalt  }
0x5d: {  	_ =	shalt  }
0x5e: {  	_ =	shalt  }
0x5f: {  	_ =	shalt  }
0x60: {  	_ =	shalt  }
0x61: {  	_ =	shalt  }
0x62: {  	_ =	shalt  }
0x63: {  	_ =	shalt  }
0x64: {  	_ =	shalt  }
0x65: {  	_ =	shalt  }
0x66: {  	_ =	shalt  }
0x67: {  	_ =	shalt  }
0x68: {  	_ =	shalt  }
0x69: {  	_ =	shalt  }
0x6a: {  	_ =	shalt  }
0x6b: {  	_ =	shalt  }
0x6c: {  	_ =	shalt  }
0x6d: {  	_ =	shalt  }
0x6e: {  	_ =	shalt  }
0x6f: {  	_ =	shalt  }
0x70: {  	_ =	shalt  }
0x71: {  	_ =	shalt  }
0x72: {  	_ =	shalt  }
0x73: {  	_ =	shalt  }
0x74: {  	_ =	shalt  }
0x75: {  	_ =	shalt  }
0x76: {  	_ =	shalt  }
0x77: {  	_ =	shalt  }
0x78: {  	_ =	shalt  }
0x79: {  	_ =	shalt  }
0x7a: {  	_ =	shalt  }
0x7b: {  	_ =	shalt  }
0x7c: {  	_ =	shalt  }
0x7d: {  	_ =	shalt  }
0x7e: {  	_ =	shalt  }
0x7f: {  	_ =	shalt  }
0x80: {  	_ =	shalt  }
0x81: {  	_ =	shalt  }
0x82: {  	_ =	shalt  }
0x83: {  	_ =	shalt  }
0x84: {  	_ =	shalt  }
0x85: {  	_ =	shalt  }
0x86: {  	_ =	shalt  }
0x87: {  	_ =	shalt  }
.Lfunc_end0:
.L_simem_size_0:
called_computation.1_lowered:
.L_overlay_start_0:
0x88: {  	s2 =	sld [smem:$0x3FD9]  }
0x89: {  	s3 =	sld [smem:$0x3FFE];
	_ =	sdelay $0x1  }
0x8a: {  	s1 =	srdreg.scid  }
0x8b: {  	s0 =	sand.u32 $0x1, s1  }
0x8c: {  	s14 =	sshll.u32 s0, $0xA;
	s2 =	sadd.s32 s3, s2  }
0x8d: {  	s2 =	sadd.s32 s2, s14  }
0x8e: {  	[smem:$0x3FC5] =	sst s2  }
0x8f: {  	_ = 	snop  }
0x90: {  	s2 =	sld [smem:$0x3FD0];
	_ =	sdelay $0x2  }
0x91: {  	s15 =	simm.s32 $0xA;
	s4 =	simm.s32 $0x10  }
0x92: {  	[smem:s4], [sflag:s15] =	dma.local [hbm:s2], $0x1  }
0x93: {  	_ =	swait.eq [sflag:s15], $0x1  }
0x94: {  	s16 =	sld [smem:$0x10];
	[sflag:s15] =	ssyncset.done $0x0  }
0x95: {  	s17 =	sld [smem:$0x11];
	[sflag:s15] =	ssyncadd.s32 $0xFFFFFFFF  }
0x96: {  	s18 =	sld [smem:$0x12];
	(tm) =	ssettm $0x1  }
0x97: {  	s5 =	sld [smem:$0x3FFB];
	_ =	sdelay $0x3  }
0x98: {  	_ =	strace s5  }
0x99: {  	s5 =	sld [smem:$0x3FFC];
	_ =	sdelay $0x3  }
0x9a: {  	_ =	strace s5  }
0x9b: {  	s5 =	sld [smem:$0x3FFD];
	_ =	sdelay $0x3  }
0x9c: {  	_ =	strace s5  }
0x9d: {  	_ =	strace $0x8FFFFFFF  }
0x9e: {  	s19 =	sld [smem:$0x3FDB];
	_ =	sdelay $0x1  }
0x9f: {  	s6 =	simm.s32 $_scs_section_size  }
0xa0: {  	s7 =	simm.s32 $_size__tile_overlayer_lowered;
	s8 =	simm.s32 $_tile_overlayer_lowered  }
0xa1: {  	s22 =	simm.s32 $0x1BFF;
	s21 =	sshll.u32 s8, $0x1;
	s5 =	sadd.s32 s6, s19  }
0xa2: {  	s9 =	simm.s32 $0x0;
	s20 =	sshll.u32 s7, $0x1;
	s7 =	sadd.s32 s21, s5  }
0xa3: {  	[timem:s9], [sflag:s22] =	dma.local [hbm:s7], s20  }
0xa4: {  	_ =	swait.ge [sflag:s22], s20  }
0xa5: {  	s6 =	ssub.s32 $0x0, s20;
	[sflag:s22] =	ssyncset.done $0x0  }
0xa6: {  	[sflag:s22] =	ssyncadd.s32 s6;
	_ =	sdelay $0x1  }
0xa7: {  	s23 =	simm.s32 $0x1B8B  }
0xa8: {  	_ =	swait.ge [sflag:s23], $0x1  }
0xa9: {  	[sflag:s23] =	ssyncset.done $0x0  }
0xaa: {  	s25 =	simm.s32 $0x1B8E;
	s24 =	sld [smem:$0x3FFE];
	[sflag:s23] =	ssyncadd.s32 $0xFFFFFFFF  }
0xab: {  	s26 =	simm.s32 $execute0_lowered;
	[smem:$0x3FD2] =	sst s25  }
0xac: {  	s7 =	sshll.u32 s26, $0x1;
	_ =	strace $0x80000049;
	[dreg:$0x1] =	wrdreg $0xFFFFFFFF  }
0xad: {  	s28 =	simm.s32 $_size_execute0_lowered;
	s5 =	sadd.s32 s5, s7;
	[dreg:$0x0] =	wrdreg $0x0  }
0xae: {  	s7 =	sshll.u32 s28, $0x1;
	[dreg:$0x2] =	wrdreg s5  }
0xaf: {  	[dreg:$0x3] =	wrdreg s7  }
0xb0: {  	[dreg:$0x4] =	wrdreg $0xC0  }
0xb1: {  	_ =	task [dreg:s9], $0x5FFFF  }
0xb2: {  	[dreg:$0x1] =	wrdreg $0xFFFFFFFF  }
0xb3: {  	[dreg:$0x0] =	wrdreg $0x60  }
0xb4: {  	[dreg:$0x2] =	wrdreg s17  }
0xb5: {  	[dreg:$0x3] =	wrdreg s24  }
0xb6: {  	[dreg:$0x4] =	wrdreg s16  }
0xb7: {  	[dreg:$0x5] =	wrdreg s18  }
0xb8: {  	[dreg:$0x6] =	wrdreg $0x9  }
0xb9: {  	_ =	task.clear_ibuf [dreg:s9], $0x7FFFF;
	_ =	strace $0x90000049  }
0xba: {  	s29 =	simm.s32 $0x9;
	_ =	strace $0x8000004B  }
0xbb: {  	_ =	swait.ge [sflag:s29], $0x1  }
0xbc: {  	[sflag:s29] =	ssyncadd.s32 $0xFFFFFFFF  }
0xbd: {  	_ =	strace $0x9000004B  }
0xbe: {  	_ =	sfence  }
0xbf: {  	s30 =	sld [smem:$0x0];
	_ =	sdelay $0x2  }
0xc0: {  	s31 =	sshll.u32 s1, $0xD;
	s1 =	sshrl.u32 s1, $0x2  }
0xc1: {  	s3 =	sand.u32 $0x4000, s31;
	s1 =	sadd.s32 s1, s30  }
0xc2: {  	s0 =	sor.u32 s3, s0;
	s1 =	sshll.u32 s1, $0x11  }
0xc3: {  	s0 =	sor.u32 s1, s0  }
0xc4: {  	s0 =	sadd.s32 $0x8F2B, s0  }
0xc5: {  	[sflag:s0] =	ssyncadd.remote.s32 $0x1  }
0xc6: {  	_ =	sfence.sel $0xFFFF  }
0xc7: {  	[dreg:$0x0] =	wrdreg $0xFFFFFFFF;
	(pc) =	sbr.abs _section_cstart, $3  }
0xc8: {  	[dreg:$0x1] =	wrdreg $0xFFFFFFFF  }
0xc9: {  	_ =	task.clear_ibuf [dreg:s9], $0x2FFFF;
	_ =	strace $0x9FFFFFFF  }
0xca: {  	(tm) =	ssettm $0x7FFFFFFF  }
0xcb: {  	_ =	shalt  }
tec
execute0_lowered:
.L_overlay_start_1:
0x0: {  	(tag) =	ssettag $0x1  }
0x1: {  	s7 =	rddreg [dreg:$0x0]  }
0x2: {  	s6 =	rddreg [dreg:$0x1]  }
0x3: {  	s9 =	rddreg [dreg:$0x2]  }
0x4: {  	s1 =	rddreg [dreg:$0x3]  }
0x5: {  	s2 =	srdreg.scid;
	s0 =	rddreg [dreg:$0x4]  }
0x6: {  	s3 =	simm.s32 $0x0;
	s15 =	simm.s32 $0x880;
	s16 =	simm.s32 $0x900  }
0x7: {  	s17 =	simm.s32 $0x800;
	s18 =	simm.s32 $0x4900;
	s19 =	simm.s32 $0x0  }
0x8: {  	s10 =	sand.u32 $0x1, s2;
	s2 =	stileid.u32;
	[smem:$0x7FF] =	sst s3  }
0x9: {  	s5 =	sadd.s32 $0x2200, s6;
	s4 =	sshll.u32 s10, $0x4;
	_ =	strace $0x8000004A  }
0xa: {  	s8 =	ssub.s32 $0x2, s10;
	s31 =	sshll.u32 s10, $0xD;
	s4 =	sor.u32 s2, s4  }
0xb: {  	s14 =	sshll.u32 s2, $0x9;
	s13 =	sshrl.u32 s8, $0x1;
	s11 =	sshll.u32 s4, $0x6  }
0xc: {  	s13 =	ssub.s32 s8, s13;
	p0 =	sne.s32 s4, $0x0;
	s12 =	sadd.s32 s11, s6  }
0xd: {  	s6 =	sadd.s32 $0x2400, s6;
	s7 =	sadd.s32 s7, s11;
	s9 =	sadd.s32 s9, s11  }
0xe: {  	v0 =	vlaneseq.u32;
	s10 =	smax.u32 s13, $0x1;
	s11 =	sor.u32 s14, s31;
	s13 =	simm.s32 $0x200  }
0xf: {  	v1 =	vimm.s32 $0x0;
	v2 =	vor.u32 $0x6000, v0;
	v3 =	vand.u32 $0x1, v0;
	s14 =	simm.s32 $0x400;
	s8 =	sadd.s32 $0x1A00, s12;
	s12 =	simm.s32 $0x1  }
.LBB2_1:
0x10: {  	[tilespmem:s3], [sflag:$0x1] =	stream.linear.gather [hbm4b:s7+s3], $0x200, $0x38;
	[tilespmem:$0x4B00] =	vst v63  }
0x11: {  	_ =	swait.ge [sflag:s12], $0x200  }
0x12: {  	[sflag:s12] =	ssyncset.done $0x0  }
0x13: {  	[sflag:s12] =	ssyncadd.s32 $0xFFFFFE00  }
0x14: {  	[tilespmem:s13], [sflag:$0x1] =	stream.linear.gather [hbm4b:s8+s3], $0x200, $0x38;
	[tilespmem:$0x4B00] =	vst v63  }
0x15: {  	_ =	swait.ge [sflag:s12], $0x200  }
0x16: {  	[sflag:s12] =	ssyncset.done $0x0  }
0x17: {  	[sflag:s12] =	ssyncadd.s32 $0xFFFFFE00  }
0x18: {  	[tilespmem:s14], [sflag:$0x1] =	stream.linear.gather [hbm4b:s9+s3], $0x200, $0x38;
	[tilespmem:$0x4B00] =	vst v63  }
0x19: {  	_ =	swait.ge [sflag:s12], $0x200  }
0x1a: {  	[sflag:s12] =	ssyncset.done $0x0  }
0x1b: {  	s20 =	simm.s32 $0x600;
	[sflag:s12] =	ssyncadd.s32 $0xFFFFFE00  }
0x1c: {  	[tilespmem:s20], [sflag:$0x1] =	stream.linear.gather [hbm4b:s5+s3], $0x200, $0x38;
	[tilespmem:$0x4B00] =	vst v63  }
0x1d: {  	_ =	swait.ge [sflag:s12], $0x200  }
0x1e: {  	[sflag:s12] =	ssyncset.done $0x0  }
0x1f: {  	[sflag:s12] =	ssyncadd.s32 $0xFFFFFE00  }
0x20: {  	p1 =	sle.u32 s4, $0x0;
	[tilespmem:$0x800] =	vst v1  }
0x21: {  	v4 =	vld @!p1 [tilespmem:s20+$0x0];
	_ =	sdelay $0x4  }
0x22: {  	s21 =	simm.s32 $0x1;
	v5 =	vadd.s32 @!p1 v1, v4;
	v4 =	vimm.s32 $0x0  }
.LBB2_2:
0x23: {  	[tilespmem:$0x800] =	vst @!p1 v5;
	v4 =	vpsel p1, v4, v5;
	p1 =	sge.u32 s21, s4;
	s21 =	sadd.s32 $0x1, s21;
	s20 =	sadd.s32 $0x10, s20  }
0x24: {  	v5 =	vld @!p1 [tilespmem:s20+$0x0];
	p2 =	sne.s32 s21, $0x20  }
.Ltmp0:
0x25: {  	(pc) =	sbr.rel @p2 .LBB2_2-.Ltmp0, $2  }
0x26: {  	_ =	sdelay $0x2  }
0x27: {  	v5 =	vadd.s32 @!p1 v4, v5  }
.Ltmp1:
0x28: {  	(pc) =	sbr.rel @p0 .LBB2_7-.Ltmp1, $2  }
0x29: {  	_ =	sdelay $0x2  }
0x2a: {  	[tilespmem:$0x800] =	vst @!p1 v5  }
0x2b: {  	v4 =	vimm.s32 $0x0  }
0x2c: {  	s21 =	simm.s32 $0x0;
	s20 =	simm.s32 $0x40;
	[tilespmem:$0x880] =	vst v4  }
.LBB2_5:
0x2d: {  	p1 =	sne.s32 s20, $0x7C0;
	v5 =	vld [tilespmem:s21+$0x600];
	_ =	sdelay $0x1  }
.Ltmp2:
0x2e: {  	(pc) =	sbr.rel @p1 .LBB2_5-.Ltmp2, $3  }
0x2f: {  	_ =	sdelay $0x1  }
0x30: {  	v4 =	vadd.s32 v4, v5  }
0x31: {  	s21 =	sshra.s32 s20, $0x2;
	s20 =	sadd.s32 $0x40, s20;
	[tilespmem:$0x880] =	vst v4  }
0x32: {  	v5 =	vld [tilespmem:s21+$0x600];
	_ =	sdelay $0x4  }
0x33: {  	v4 =	vadd.s32 v4, v5  }
0x34: {  	[tilespmem:$0x880] =	vst v4  }
0x35: {  	[hbm4b:s1+s3] =	stream.linear.scatter [tilespmem:s15], [sflag:$0x1], $0x80, $0x38;
	[tilespmem:$0x4B00] =	vst v63  }
0x36: {  	_ =	swait.ge [sflag:s12], $0x80  }
0x37: {  	[sflag:s12] =	ssyncset.done $0x0  }
0x38: {  	[sflag:s12] =	ssyncadd.s32 $0xFFFFFF80  }
.LBB2_7:
0x39: {  	s20 =	simm.s32 $0x0  }
0x3a: {  	s31 =	simm.s32 $0x80;
	v4 =	vmov s20  }
0x3b: {  	v10 =	vor.u32 s20, v0;
	v17 =	vmov s31;
	v5 =	vor.u32 $0x10, v4  }
0x3c: {  	v6 =	vor.u32 $0x20, v4;
	v7 =	vor.u32 $0x60, v4;
	v8 =	vor.u32 $0x30, v4  }
0x3d: {  	v13 =	vor.u32 $0x30, v17;
	v5 =	vbroadcast v5, $0x0;
	v6 =	vbroadcast v6, $0x0  }
0x3e: {  	v19 =	vor.u32 $0x40, v17;
	v8 =	vbroadcast v8, $0x0;
	v7 =	vbroadcast v7, $0x0  }
0x3f: {  	v9 =	vor.u32 $0x40, v4;
	v20 =	vbroadcast v13, $0x0;
	v13 =	vbroadcast v19, $0x0  }
0x40: {  	v12 =	vor.u32 v0, v5;
	v5 =	vbroadcast v9, $0x0;
	v9 =	vor.u32 $0x50, v4  }
0x41: {  	v16 =	vor.u32 v0, v8;
	v8 =	vor.u32 $0x70, v4;
	v14 =	vor.u32 v0, v6  }
0x42: {  	v18 =	vor.u32 $0x60, v17;
	v9 =	vbroadcast v9, $0x0;
	v15 =	vbroadcast v8, $0x0  }
0x43: {  	v4 =	vor.u32 v0, v5;
	v5 =	vor.u32 v0, v7;
	v7 =	vor.u32 $0x10, v17  }
0x44: {  	v8 =	vor.u32 $0x20, v17;
	[tilespmem:v10+s16+$0x0] =	vst.idx.msk $0xffff, v1;
	v6 =	vor.u32 v0, v9;
	v9 =	vbroadcast v7, $0x0  }
0x45: {  	v11 =	vbroadcast v8, $0x0;
	v7 =	vor.u32 s31, v0;
	v10 =	vor.u32 v0, v15;
	[tilespmem:v12+s16+$0x0] =	vst.idx.msk $0xffff, v1  }
0x46: {  	v15 =	vor.u32 $0x70, v17;
	v8 =	vor.u32 v0, v9;
	v9 =	vor.u32 $0x50, v17;
	[tilespmem:v14+s16+$0x0] =	vst.idx.msk $0xffff, v1  }
0x47: {  	s21 =	simm.s32 $0x0;
	s22 =	simm.s32 $0x2;
	s20 =	simm.s32 $0x1;
	v12 =	vbroadcast v9, $0x0;
	v9 =	vor.u32 v0, v20;
	v14 =	vbroadcast v18, $0x0;
	[tilespmem:v16+s16+$0x0] =	vst.idx.msk $0xffff, v1  }
.LBB2_8:
0x48: {  	s23 =	sshll.u32 s22, $0x7;
	p1 =	sne.s32 s22, $0x7F;
	s22 =	sadd.s32 $0x1, s22;
	v16 =	vor.u32 v0, v11;
	v15 =	vbroadcast v15, $0x0;
	[tilespmem:v4+s16+$0x0] =	vst.idx.msk $0xffff, v1;
	v4 =	vor.u32 v0, v13  }
0x49: {  	v17 =	vmov s23;
	v11 =	vor.u32 v0, v14;
	[tilespmem:v6+s16+$0x0] =	vst.idx.msk $0xffff, v1;
	v6 =	vor.u32 v0, v12  }
0x4a: {  	v12 =	vor.u32 $0x10, v17;
	v13 =	vor.u32 $0x20, v17;
	v14 =	vor.u32 $0x60, v17;
	[tilespmem:v5+s16+$0x0] =	vst.idx.msk $0xffff, v1;
	v5 =	vmovc v11  }
.Ltmp3:
0x4b: {  	v18 =	vor.u32 $0x30, v17;
	v19 =	vor.u32 $0x40, v17;
	v12 =	vbroadcast v12, $0x0;
	[tilespmem:v10+s16+$0x0] =	vst.idx.msk $0xffff, v1;
	(pc) =	sbr.rel @p1 .LBB2_8-.Ltmp3, $4  }
0x4c: {  	v11 =	vbroadcast v13, $0x0;
	v18 =	vbroadcast v18, $0x0;
	[tilespmem:v7+s16+$0x0] =	vst.idx.msk $0xffff, v1;
	v7 =	vor.u32 s23, v0  }
0x4d: {  	v13 =	vbroadcast v19, $0x0;
	v10 =	vor.u32 $0x50, v17;
	[tilespmem:v8+s16+$0x0] =	vst.idx.msk $0xffff, v1;
	v8 =	vor.u32 v0, v12  }
0x4e: {  	v12 =	vbroadcast v10, $0x0;
	v10 =	vor.u32 v0, v15;
	[tilespmem:v16+s16+$0x0] =	vst.idx.msk $0xffff, v1  }
0x4f: {  	v14 =	vbroadcast v14, $0x0;
	v15 =	vor.u32 $0x70, v17;
	[tilespmem:v9+s16+$0x0] =	vst.idx.msk $0xffff, v1;
	v9 =	vor.u32 v0, v18  }
0x50: {  	_ =	sdelay $0x3  }
0x51: {  	[tilespmem:v4+s16+$0x0] =	vst.idx.msk $0xffff, v1  }
0x52: {  	v4 =	vor.u32 v0, v11;
	[tilespmem:v6+s16+$0x0] =	vst.idx.msk $0xffff, v1  }
0x53: {  	[tilespmem:v5+s16+$0x0] =	vst.idx.msk $0xffff, v1  }
0x54: {  	v5 =	vor.u32 v0, v13;
	[tilespmem:v10+s16+$0x0] =	vst.idx.msk $0xffff, v1  }
0x55: {  	v52 =	vbroadcast v15, $0x0;
	v53 =	vor.u32 v0, v12;
	[tilespmem:v7+s16+$0x0] =	vst.idx.msk $0xffff, v1  }
0x56: {  	v54 =	vor.u32 v0, v14;
	[tilespmem:v8+s16+$0x0] =	vst.idx.msk $0xffff, v1  }
0x57: {  	[tilespmem:v4+s16+$0x0] =	vst.idx.msk $0xffff, v1;
	v4 =	vor.u32 v0, v52  }
0x58: {  	[tilespmem:v9+s16+$0x0] =	vst.idx.msk $0xffff, v1  }
0x59: {  	[tilespmem:v5+s16+$0x0] =	vst.idx.msk $0xffff, v1  }
0x5a: {  	[tilespmem:v53+s16+$0x0] =	vst.idx.msk $0xffff, v1  }
0x5b: {  	[tilespmem:v54+s16+$0x0] =	vst.idx.msk $0xffff, v1  }
0x5c: {  	[tilespmem:v4+s16+$0x0] =	vst.idx.msk $0xffff, v1  }
0x5d: {  	v4 =	vld [tilespmem:s21+$0x0];
	_ =	sdelay $0x1  }
0x5e: {  	s28 =	sand.u32 $0x7, s21  }
0x5f: {  	s22 =	sshll.u32 s28, $0x4  }
0x60: {  	v5 =	vor.u32 s22, v0  }
0x61: {  	s29 =	simm.s32 $0x400;
	v55 =	vshll.u32 v5, $0x7  }
0x62: {  	s30 =	simm.s32 $0x200;
	v56 =	vor.u32 $0x1, v55;
	v7 =	vld [tilespmem:s29+$0x0]  }
0x63: {  	v57 =	vor.u32 $0x2, v55;
	v58 =	vld [tilespmem:s30+$0x0]  }
0x64: {  	v59 =	vmov s11;
	v60 =	vor.u32 s11, v0;
	v61 =	vor.u32 $0x3, v55;
	v9 =	vld.idx.msk [tilespmem:v4+s17+$0x0], $0xffff  }
0x65: {  	v12 =	vshrl.u32 v59, $0xC;
	v13 =	vshrl.u32 v60, $0x1;
	v62 =	vor.u32 $0x4, v55  }
0x66: {  	s31 =	simm.s32 $0x0;
	v16 =	vand.u32 $0x7FF, v13;
	v6 =	vor.u32 $0x8, v55;
	[tilespmem:v55+s16+$0x0] =	vst.idx.msk $0xffff, v12  }
0x67: {  	v5 =	vor.u32 s31, v5;
	v7 =	vtrunc.f32 v7;
	[tilespmem:v56+s16+$0x0] =	vst.idx.msk $0xffff, v16  }
0x68: {  	v63 =	vmul.u32 $0x600, v4;
	v7 =	vcvt.f32.s32 v7;
	[tilespmem:v57+s16+$0x0] =	vst.idx.msk $0xffff, v3  }
0x69: {  	p2 =	sne.s32 s28, $0x7;
	[tilespmem:v61+s16+$0x0] =	vst.idx.msk $0xffff, v4;
	v9 =	vadd.s32 v58, v9  }
0x6a: {  	s21 =	simm.s32 @!p2 $0x0;
	[tilespmem:v62+s16+$0x0] =	vst.idx.msk $0xffff, v7;
	vm0 =	vlt.s32 v9, $0x600;
	v4 =	vadd.s32 v63, v9  }
0x6b: {  	s25 =	simm.s32 @!p2 $0x1;
	s21 =	sand.u32 @!p2 $0x3FFFFF80, s21;
	[tilespmem:v6+s16+$0x0] =	vst.idx.msk $0xffff, v13;
	v4 =	vsel vm0, v4, v2  }
0x6c: {  	s23 =	simm.s32 @!p2 $0x900;
	s22 =	simm.s32 @!p2 $0x80;
	s21 =	sadd.s32 @!p2 $0x4900, s21;
	[tilespmem:v5+s18+$0x0] =	vst.idx.msk $0xffff, v4  }
0x6d: {  	[hbm4b:s6+s22] =	stream.indirect.scatter @!p2 [tilespmem:s23], [sflag:$0x1], $0x80, s21, s22, $0xb8;
	[tilespmem:$0x4B00] =	vst v63  }
0x6e: {  	s24 =	smov.u32 s11;
	s21 =	simm.s32 $0x410;
	_ =	swait.ge @!p2 [sflag:s25], $0x4000  }
0x6f: {  	s22 =	simm.s32 $0x10;
	s23 =	simm.s32 $0x210;
	[sflag:s25] =	ssyncset.done @!p2 $0x0  }
.LBB2_10:
0x70: {  	[sflag:s25] =	ssyncadd.s32 @!p2 $0xFFFFC000  }
0x71: {  	s24 =	sadd.s32 $0x10, s24;
	s25 =	smov.u32 s20;
	s20 =	sadd.s32 $0x1, s20  }
0x72: {  	v4 =	vld [tilespmem:s22+$0x0];
	p1 =	sne.s32 s20, $0x20;
	_ =	sdelay $0x2  }
0x73: {  	s26 =	sand.u32 $0x7, s25  }
0x74: {  	s28 =	sshll.u32 s26, $0x4  }
0x75: {  	v5 =	vor.u32 s28, v0  }
0x76: {  	v6 =	vshll.u32 v5, $0x7  }
0x77: {  	v8 =	vor.u32 $0x1, v6;
	v7 =	vld [tilespmem:s21+$0x0]  }
0x78: {  	v10 =	vor.u32 $0x2, v6;
	v9 =	vld.idx.msk [tilespmem:v4+s17+$0x0], $0xffff  }
0x79: {  	v12 =	vmov s24;
	v13 =	vor.u32 s24, v0;
	v14 =	vor.u32 $0x3, v6;
	v11 =	vld [tilespmem:s23+$0x0]  }
0x7a: {  	s25 =	sshrl.u32 s25, $0x3;
	v13 =	vshrl.u32 v13, $0x1;
	v12 =	vshrl.u32 v12, $0xC;
	v15 =	vor.u32 $0x4, v6  }
0x7b: {  	v16 =	vand.u32 $0x7FF, v13;
	s28 =	sshll.u32 s25, $0x7;
	[tilespmem:v6+s16+$0x0] =	vst.idx.msk $0xffff, v12;
	v6 =	vor.u32 $0x8, v6  }
0x7c: {  	v5 =	vor.u32 s28, v5;
	v7 =	vtrunc.f32 v7;
	[tilespmem:v8+s16+$0x0] =	vst.idx.msk $0xffff, v16  }
0x7d: {  	v8 =	vmul.u32 $0x600, v4;
	v7 =	vcvt.f32.s32 v7;
	[tilespmem:v10+s16+$0x0] =	vst.idx.msk $0xffff, v3  }
0x7e: {  	p2 =	sne.s32 s26, $0x7;
	v9 =	vadd.s32 v11, v9;
	[tilespmem:v14+s16+$0x0] =	vst.idx.msk $0xffff, v4  }
0x7f: {  	s25 =	sshll.u32 @!p2 s25, $0x7;
	vm0 =	vlt.s32 v9, $0x600;
	v4 =	vadd.s32 v8, v9;
	[tilespmem:v15+s16+$0x0] =	vst.idx.msk $0xffff, v7  }
.Ltmp4:
0x80: {  	s26 =	sand.u32 @!p2 $0x3FFFFF80, s25;
	s25 =	simm.s32 @!p2 $0x1;
	v4 =	vsel vm0, v4, v2;
	[tilespmem:v6+s16+$0x0] =	vst.idx.msk $0xffff, v13;
	(pc) =	sbr.rel @p1 .LBB2_10-.Ltmp4, $4  }
0x81: {  	s29 =	simm.s32 @!p2 $0x900;
	s28 =	simm.s32 @!p2 $0x80;
	s26 =	sadd.s32 @!p2 $0x4900, s26;
	[tilespmem:v5+s18+$0x0] =	vst.idx.msk $0xffff, v4  }
0x82: {  	[hbm4b:s6+s28] =	stream.indirect.scatter @!p2 [tilespmem:s29], [sflag:$0x1], $0x80, s26, s28, $0xb8;
	[tilespmem:$0x4B00] =	vst v63  }
0x83: {  	s21 =	sadd.s32 $0x10, s21;
	_ =	swait.ge @!p2 [sflag:s25], $0x4000  }
0x84: {  	s22 =	sadd.s32 $0x10, s22;
	s23 =	sadd.s32 $0x10, s23;
	[sflag:s25] =	ssyncset.done @!p2 $0x0  }
0x85: {  	s19 =	sadd.s32 $0x1, s19  }
0x86: {  	p1 =	sne.s32 s19, s10  }
.Ltmp5:
0x87: {  	_ = 	snop;
	(pc) =	sbr.rel @p1 .LBB2_1-.Ltmp5, $2  }
0x88: {  	_ =	sdelay $0x2  }
0x89: {  	[sflag:s25] =	ssyncadd.s32 @!p2 $0xFFFFC000  }
0x8a: {  	_ =	sfence.sel $0x180000  }
0x8b: {  	[bflag:$0x0] =	sbarrier.arrive $0xFFFF  }
0x8c: {  	p0 =	sne.s32 s2, $0x0;
	_ =	strace $0x9000004A  }
0x8d: {  	s0 =	sadd.s32 @!p0 $0x100000, s0;
	[bflag:$0x2] =	sbarrier.arrive $0xFFFF  }
0x8e: {  	[sflag:s0] =	ssyncadd.tile.s32 @!p0 $0x1;
	_ =	shalt  }
.Lfunc_end2:
_tile_overlayer_lowered:
.L_overlay_start_2:
0x8f: {  	(tag) =	ssettag $0x2  }
0x90: {  	s0 =	rddreg [dreg:$0x0];
	s2 =	stileid.u32  }
0x91: {  	s1 =	rddreg [dreg:$0x1];
	p0 =	sne.s32 s2, $0x0  }
0x92: {  	s3 =	rddreg [dreg:$0x2];
	[bflag:$0x3] =	sbarrier.arrive $0xFFFF;
	s2 =	simm.s32 @!p0 $0x1C01  }
0x93: {  	[timem:s3], [sflag:s2] =	dma.local @!p0 [hbm:s0], s1  }
0x94: {  	s0 =	simm.s32 @!p0 $0x1  }
0x95: {  	_ =	swait.ge @!p0 [sflag:s0], s1  }
0x96: {  	s1 =	ssub.s32 @!p0 $0x0, s1;
	[sflag:s0] =	ssyncset.done @!p0 $0x0  }
0x97: {  	[sflag:s0] =	ssyncadd.s32 @!p0 s1  }
0x98: {  	[bflag:$0x3] =	sbarrier.arrive $0xFFFF  }
0x99: {  	_ =	shalt  }

</sc_bundles>
